<compile_context>
chip_gen: v7x
topology: tpu7x:2x2x1
jax: 0.10.2.dev20260603
libtpu: 0.0.44.dev20260713+nightly
codegen_flags: <defaults>
</compile_context>

<pallas_src>
import jax
import jax.numpy as jnp
from jax import lax
from jax.experimental import pallas as pl
from jax.experimental.pallas import tpu as pltpu
from jax.experimental.pallas import tpu_sc as plsc

N_POSES = 100000
N_EDGES = 1600000
CHUNK = 1280
N_CHUNKS = N_EDGES // CHUNK
N_WORKERS = 32
T_ITER = (N_CHUNKS + N_WORKERS - 1) // N_WORKERS
GATHER_SUB = 128
LANES = 16
GROUPS = CHUNK // LANES

_ATAN_C = (
    0.9999994931983208,
    -0.333277214292507,
    0.19897338970248968,
    -0.1356213417992754,
    0.08545195387626983,
    -0.03853451958906273,
    0.008408163058466886,
)


def _rsqrt(x):
    i = plsc.bitcast(x, jnp.int32)
    i = jnp.int32(0x5F3759DF) - lax.shift_right_logical(i, 1)
    y = plsc.bitcast(i, jnp.float32)
    half = 0.5 * x
    for _ in range(2):
        y = y * (1.5 - half * y * y)
    return y


def _atan01(a):
    u = a * a
    p = jnp.full_like(a, _ATAN_C[-1])
    for c in _ATAN_C[-2::-1]:
        p = p * u + c
    return a * p


def _cross(ax, ay, az, bx, by, bz):
    return (ay * bz - az * by, az * bx - ax * bz, ax * by - ay * bx)


def _quat_rotate(qx, qy, qz, qw, vx, vy, vz):
    tx, ty, tz = _cross(qx, qy, qz, vx, vy, vz)
    tx, ty, tz = 2.0 * tx, 2.0 * ty, 2.0 * tz
    cx, cy, cz = _cross(qx, qy, qz, tx, ty, tz)
    return (vx + qw * tx + cx, vy + qw * ty + cy, vz + qw * tz + cz)


def _quat_mul(x1, y1, z1, w1, x2, y2, z2, w2):
    x = w1 * x2 + x1 * w2 + y1 * z2 - z1 * y2
    y = w1 * y2 - x1 * z2 + y1 * w2 + z1 * x2
    z = w1 * z2 + x1 * y2 - y1 * x2 + z1 * w2
    w = w1 * w2 - x1 * x2 - y1 * y2 - z1 * z2
    return x, y, z, w


def _sc_body(table, src_idx, dst_idx, meas, wts, out,
             si0, si1, di0, di1, sv0, sv1, dv0, dv1,
             mv0, mv1, wv0, wv1, ov0, ov1,
             ix0, ix1, gt0, gt1, mw0, mw1, st0, st1):
    SI, DI = (si0, si1), (di0, di1)
    SV, DV = (sv0, sv1), (dv0, dv1)
    MV, WV = (mv0, mv1), (wv0, wv1)
    OV = (ov0, ov1)
    IX, GT, MW, ST = (ix0, ix1), (gt0, gt1), (mw0, mw1), (st0, st1)

    wid = lax.axis_index("s") * 2 + lax.axis_index("c")
    lane = lax.iota(jnp.int32, LANES)

    def cbase(i):
        c = jnp.minimum(wid + i * N_WORKERS, N_CHUNKS - 1)
        return c * CHUNK

    def issue_idx(i, p):
        base = cbase(i)
        pltpu.async_copy(src_idx.at[pl.ds(base, CHUNK)], SI[p], IX[p])
        pltpu.async_copy(dst_idx.at[pl.ds(base, CHUNK)], DI[p], IX[p])

    def wait_idx(p):
        pltpu.make_async_copy(src_idx.at[pl.ds(0, CHUNK)], SI[p], IX[p]).wait()
        pltpu.make_async_copy(dst_idx.at[pl.ds(0, CHUNK)], DI[p], IX[p]).wait()

    def issue_gathers(i, p):
        for j in range(CHUNK // GATHER_SUB):
            sl = pl.ds(j * GATHER_SUB, GATHER_SUB)
            pltpu.async_copy(table.at[SI[p].at[sl]], SV[p].at[sl], GT[p])
            pltpu.async_copy(table.at[DI[p].at[sl]], DV[p].at[sl], GT[p])

    def wait_gathers(p):
        for j in range(CHUNK // GATHER_SUB):
            sl = pl.ds(j * GATHER_SUB, GATHER_SUB)
            pltpu.make_async_copy(table.at[pl.ds(0, GATHER_SUB)], SV[p].at[sl], GT[p]).wait()
            pltpu.make_async_copy(table.at[pl.ds(0, GATHER_SUB)], DV[p].at[sl], GT[p]).wait()

    def issue_mw(i, p):
        base = cbase(i)
        for k in range(7):
            pltpu.async_copy(meas.at[pl.ds(k * N_EDGES + base, CHUNK)],
                             MV[p].at[k], MW[p])
        for k in range(6):
            pltpu.async_copy(wts.at[pl.ds(k * N_EDGES + base, CHUNK)],
                             WV[p].at[k], MW[p])

    def wait_mw(p):
        for k in range(7):
            pltpu.make_async_copy(meas.at[pl.ds(0, CHUNK)], MV[p].at[k], MW[p]).wait()
        for k in range(6):
            pltpu.make_async_copy(wts.at[pl.ds(0, CHUNK)], WV[p].at[k], MW[p]).wait()

    def issue_store(i, p):
        pltpu.async_copy(OV[p], out.at[pl.ds(cbase(i) * 6, CHUNK * 6)], ST[p])

    def wait_store(p):
        pltpu.make_async_copy(out.at[pl.ds(0, CHUNK * 6)], OV[p], ST[p]).wait()

    def compute(p):
        src_v, dst_v, meas_v, w_v, out_v = SV[p], DV[p], MV[p], WV[p], OV[p]

        def group_body(g, carry2):
            rows = g * LANES + lane

            def col(ref, k):
                return plsc.load_gather(ref, [rows, jnp.full((LANES,), k, jnp.int32)])

            def cols(ref, k):
                return ref[k, pl.ds(g * LANES, LANES)]

            stx, sty, stz = col(src_v, 0), col(src_v, 1), col(src_v, 2)
            sqx, sqy, sqz, sqw = col(src_v, 3), col(src_v, 4), col(src_v, 5), col(src_v, 6)
            dtx, dty, dtz = col(dst_v, 0), col(dst_v, 1), col(dst_v, 2)
            dqx, dqy, dqz, dqw = col(dst_v, 3), col(dst_v, 4), col(dst_v, 5), col(dst_v, 6)
            mtx, mty, mtz = cols(meas_v, 0), cols(meas_v, 1), cols(meas_v, 2)
            mqx, mqy, mqz, mqw = (cols(meas_v, 3), cols(meas_v, 4),
                                  cols(meas_v, 5), cols(meas_v, 6))

            iqx, iqy, iqz = -sqx, -sqy, -sqz
            rx, ry, rz = _quat_rotate(iqx, iqy, iqz, sqw, stx, sty, stz)
            itx, ity, itz = -rx, -ry, -rz
            rdx, rdy, rdz = _quat_rotate(iqx, iqy, iqz, sqw, dtx, dty, dtz)
            ptx, pty, ptz = itx + rdx, ity + rdy, itz + rdz
            pqx, pqy, pqz, pqw = _quat_mul(iqx, iqy, iqz, sqw, dqx, dqy, dqz, dqw)
            jqx, jqy, jqz = -mqx, -mqy, -mqz
            mx, my, mz = _quat_rotate(jqx, jqy, jqz, mqw, mtx, mty, mtz)
            ntx, nty, ntz = -mx, -my, -mz
            rpx, rpy, rpz = _quat_rotate(jqx, jqy, jqz, mqw, ptx, pty, ptz)
            tx, ty, tz = ntx + rpx, nty + rpy, ntz + rpz
            qx, qy, qz, qw = _quat_mul(jqx, jqy, jqz, mqw, pqx, pqy, pqz, pqw)

            sign = jnp.where(qw < 0.0, -1.0, 1.0)
            qx, qy, qz, qw = qx * sign, qy * sign, qz * sign, qw * sign
            n2 = qx * qx + qy * qy + qz * qz
            n = (n2 + 1e-24) * _rsqrt(n2 + 1e-24)
            mn = jnp.minimum(n, qw)
            mx_ = jnp.maximum(n, qw)
            t_at = _atan01(mn / mx_)
            half = jnp.where(n > qw, jnp.float32(jnp.pi / 2) - t_at, t_at)
            theta = 2.0 * half
            small = n < 1e-6
            fnum = jnp.where(small, 2.0, theta)
            fden = jnp.where(small, jnp.maximum(qw, 1e-6), n)
            inv_den = 1.0 / fden
            factor = fnum * inv_den
            phx, phy, phz = factor * qx, factor * qy, factor * qz

            th2 = phx * phx + phy * phy + phz * phz
            th2_safe = jnp.where(th2 < 1e-12, 1.0, th2)
            cot_term = half * qw * inv_den
            coef = jnp.where(theta < 1e-4, jnp.float32(1.0 / 12.0),
                             (1.0 - cot_term) / th2_safe)
            p1x, p1y, p1z = _cross(phx, phy, phz, tx, ty, tz)
            p2x, p2y, p2z = _cross(phx, phy, phz, p1x, p1y, p1z)
            taux = tx - 0.5 * p1x + coef * p2x
            tauy = ty - 0.5 * p1y + coef * p2y
            tauz = tz - 0.5 * p1z + coef * p2z

            obase = g * (LANES * 6) + lane * 6
            vals = (taux * cols(w_v, 0), tauy * cols(w_v, 1), tauz * cols(w_v, 2),
                    phx * cols(w_v, 3), phy * cols(w_v, 4), phz * cols(w_v, 5))
            for k, v in enumerate(vals):
                plsc.store_scatter(out_v, [obase + k], v)
            return carry2

        lax.fori_loop(0, GROUPS, group_body, 0, unroll=4)

    issue_idx(0, 0)
    issue_idx(1, 1)
    issue_mw(0, 0)
    issue_mw(1, 1)
    wait_idx(0)
    issue_gathers(0, 0)

    wait_idx(1)
    issue_gathers(1, 1)
    wait_gathers(0)
    wait_mw(0)
    issue_idx(2, 0)
    compute(0)
    issue_store(0, 0)
    issue_mw(2, 0)

    wait_idx(0)
    issue_gathers(2, 0)
    wait_gathers(1)
    wait_mw(1)
    issue_idx(3, 1)
    compute(1)
    issue_store(1, 1)
    issue_mw(3, 1)

    def pair_body(k, carry):
        for b in (0, 1):
            i = 2 * k + 2 + b
            p = b
            wait_idx(1 - p)
            issue_gathers(i + 1, 1 - p)
            wait_gathers(p)
            wait_mw(p)
            wait_store(p)
            issue_idx(i + 2, p)
            compute(p)
            issue_store(i, p)
            issue_mw(i + 2, p)
        return carry

    lax.fori_loop(0, (T_ITER - 2) // 2, pair_body, 0, unroll=False)

    wait_gathers(0)
    wait_mw(0)
    wait_idx(1)
    wait_mw(1)
    wait_store(0)
    wait_store(1)


W_CONV = 3200
N_CCHUNK = N_EDGES // W_CONV
T_CONV = (N_CCHUNK + N_WORKERS - 1) // N_WORKERS


def _conv_body(meas_t, wts_t, mout, wout, mv0, mv1, wv0, wv1, rd0, rd1, wr0, wr1):
    MV, WV, RD, WR = (mv0, mv1), (wv0, wv1), (rd0, rd1), (wr0, wr1)
    wid = lax.axis_index("s") * 2 + lax.axis_index("c")

    def cb(i):
        return jnp.minimum(wid + i * N_WORKERS, N_CCHUNK - 1) * W_CONV

    def issue_read(i, p):
        base = cb(i)
        pltpu.async_copy(meas_t.at[:, pl.ds(base, W_CONV)], MV[p].at[pl.ds(0, 7)], RD[p])
        pltpu.async_copy(wts_t.at[:, pl.ds(base, W_CONV)], WV[p].at[pl.ds(0, 6)], RD[p])

    def wait_read(p):
        pltpu.make_async_copy(meas_t.at[:, pl.ds(0, W_CONV)], MV[p].at[pl.ds(0, 7)], RD[p]).wait()
        pltpu.make_async_copy(wts_t.at[:, pl.ds(0, W_CONV)], WV[p].at[pl.ds(0, 6)], RD[p]).wait()

    def issue_write(i, p):
        base = cb(i)
        for k in range(7):
            pltpu.async_copy(MV[p].at[k], mout.at[pl.ds(k * N_EDGES + base, W_CONV)], WR[p])
        for k in range(6):
            pltpu.async_copy(WV[p].at[k], wout.at[pl.ds(k * N_EDGES + base, W_CONV)], WR[p])

    def wait_write(p):
        for k in range(7):
            pltpu.make_async_copy(meas_t.at[0, pl.ds(0, W_CONV)], MV[p].at[k], WR[p]).wait()
        for k in range(6):
            pltpu.make_async_copy(wts_t.at[0, pl.ds(0, W_CONV)], WV[p].at[k], WR[p]).wait()

    issue_read(0, 0)
    issue_read(1, 1)

    def conv_pair(k, carry):
        for b in (0, 1):
            i = 2 * k + b
            p = b
            wait_read(p)
            if True:
                pass
            issue_write(i, p)
            wait_write(p)
            issue_read(i + 2, p)
        return carry

    lax.fori_loop(0, T_CONV // 2, conv_pair, 0, unroll=False)
    wait_read(0)
    wait_read(1)


@jax.jit
def _pose_graph_conv(meas_t, wts_t):
    mesh = plsc.VectorSubcoreMesh(core_axis_name="c", subcore_axis_name="s")
    f = pl.kernel(
        _conv_body,
        out_type=(jax.ShapeDtypeStruct((7 * N_EDGES,), jnp.float32),
                  jax.ShapeDtypeStruct((6 * N_EDGES,), jnp.float32)),
        mesh=mesh,
        compiler_params=pltpu.CompilerParams(
            needs_layout_passes=False, use_tc_tiling_on_sc=True),
        scratch_types=[
            pltpu.VMEM((8, W_CONV), jnp.float32), pltpu.VMEM((8, W_CONV), jnp.float32),
            pltpu.VMEM((8, W_CONV), jnp.float32), pltpu.VMEM((8, W_CONV), jnp.float32),
            pltpu.SemaphoreType.DMA, pltpu.SemaphoreType.DMA,
            pltpu.SemaphoreType.DMA, pltpu.SemaphoreType.DMA,
        ],
    )
    return f(meas_t, wts_t)


@jax.jit
def _pose_graph_sc(table, src_idx, dst_idx, meas, wts):
    mesh = plsc.VectorSubcoreMesh(core_axis_name="c", subcore_axis_name="s")
    f = pl.kernel(
        _sc_body,
        out_type=jax.ShapeDtypeStruct((N_EDGES * 6,), jnp.float32),
        mesh=mesh,
        compiler_params=pltpu.CompilerParams(
            needs_layout_passes=False, use_tc_tiling_on_sc=False),
        scratch_types=[
            pltpu.VMEM((CHUNK,), jnp.int32), pltpu.VMEM((CHUNK,), jnp.int32),
            pltpu.VMEM((CHUNK,), jnp.int32), pltpu.VMEM((CHUNK,), jnp.int32),
            pltpu.VMEM((CHUNK, 8), jnp.float32), pltpu.VMEM((CHUNK, 8), jnp.float32),
            pltpu.VMEM((CHUNK, 8), jnp.float32), pltpu.VMEM((CHUNK, 8), jnp.float32),
            pltpu.VMEM((7, CHUNK), jnp.float32), pltpu.VMEM((7, CHUNK), jnp.float32),
            pltpu.VMEM((6, CHUNK), jnp.float32), pltpu.VMEM((6, CHUNK), jnp.float32),
            pltpu.VMEM((CHUNK * 6,), jnp.float32), pltpu.VMEM((CHUNK * 6,), jnp.float32),
            pltpu.SemaphoreType.DMA, pltpu.SemaphoreType.DMA,
            pltpu.SemaphoreType.DMA, pltpu.SemaphoreType.DMA,
            pltpu.SemaphoreType.DMA, pltpu.SemaphoreType.DMA,
            pltpu.SemaphoreType.DMA, pltpu.SemaphoreType.DMA,
        ],
    )
    return f(table, src_idx, dst_idx, meas, wts)


def kernel(poses_rest, edge_meas, edge_weights, edges_src, edges_dst):
    pose_0 = jnp.zeros((1, 7), jnp.float32).at[0, 6].set(1.0)
    all_poses = jnp.concatenate([pose_0, poses_rest], axis=0)
    table = jnp.pad(all_poses, ((0, 0), (0, 1)))
    meas_soa, wts_soa = _pose_graph_conv(edge_meas.T, edge_weights.T)
    return _pose_graph_sc(
        table,
        edges_src.astype(jnp.int32),
        edges_dst.astype(jnp.int32),
        meas_soa,
        wts_soa,
    )

# --- scband reference (transcript-rebuilt; emitter-appended) ---
"""Pipeline reference for scband-pose-graph-module-42760694399067 (READ-ONLY COPY).

The authoritative reference and input builder live on the scoring server;
editing this copy changes nothing except your own understanding.
"""

import jax, jax.numpy as jnp
import numpy as np

N_POSES = 100000
N_EDGES = 1600000


def _quat_mul(q1, q2):
    x1, y1, z1, w1 = q1[..., 0], q1[..., 1], q1[..., 2], q1[..., 3]
    x2, y2, z2, w2 = q2[..., 0], q2[..., 1], q2[..., 2], q2[..., 3]
    x = w1 * x2 + x1 * w2 + y1 * z2 - z1 * y2
    y = w1 * y2 - x1 * z2 + y1 * w2 + z1 * x2
    z = w1 * z2 + x1 * y2 - y1 * x2 + z1 * w2
    w = w1 * w2 - x1 * x2 - y1 * y2 - z1 * z2
    return jnp.stack([x, y, z, w], axis=-1)


def _quat_rotate(q, v):
    qv = q[..., :3]
    qw = q[..., 3:4]
    t = 2.0 * jnp.cross(qv, v)
    return v + qw * t + jnp.cross(qv, t)


def _se3_inv(p):
    t, q = p[..., :3], p[..., 3:]
    q_inv = jnp.concatenate([-q[..., :3], q[..., 3:]], axis=-1)
    t_inv = -_quat_rotate(q_inv, t)
    return jnp.concatenate([t_inv, q_inv], axis=-1)


def _se3_mul(p1, p2):
    t1, q1 = p1[..., :3], p1[..., 3:]
    t2, q2 = p2[..., :3], p2[..., 3:]
    t = t1 + _quat_rotate(q1, t2)
    q = _quat_mul(q1, q2)
    return jnp.concatenate([t, q], axis=-1)


def _so3_log(q):
    sign = jnp.where(q[..., 3:4] < 0.0, -1.0, 1.0)
    q = q * sign
    qv = q[..., :3]
    qw = q[..., 3]
    n2 = jnp.sum(qv * qv, axis=-1)
    n = jnp.sqrt(n2 + 1e-24)
    theta = 2.0 * jnp.arctan2(n, qw)
    factor = jnp.where(n < 1e-6, 2.0 / jnp.clip(qw, 1e-6), theta / n)
    return factor[..., None] * qv


def _se3_log(p):
    t, q = p[..., :3], p[..., 3:]
    phi = _so3_log(q)
    th2 = jnp.sum(phi * phi, axis=-1)
    th = jnp.sqrt(th2 + 1e-24)
    half = 0.5 * th
    sin_half = jnp.sin(half)
    sin_safe = jnp.where(jnp.abs(sin_half) < 1e-8, 1e-8, sin_half)
    th2_safe = jnp.where(th2 < 1e-12, 1.0, th2)
    coef_big = (1.0 - half * jnp.cos(half) / sin_safe) / th2_safe
    coef = jnp.where(th < 1e-4, 1.0 / 12.0, coef_big)
    pt = jnp.cross(phi, t)
    ppt = jnp.cross(phi, pt)
    tau = t - 0.5 * pt + coef[..., None] * ppt
    return jnp.concatenate([tau, phi], axis=-1)


def setup_inputs(seed: int = 0) -> dict:
    key = jax.random.key(seed)
    k1, k2, k3, k4, k5, k6, k7 = jax.random.split(key, 7)

    def make_se3(kt, kq, n, t_scale, r_scale):
        t = t_scale * jax.random.normal(kt, (n, 3), dtype=jnp.float32)
        qv = r_scale * jax.random.normal(kq, (n, 3), dtype=jnp.float32)
        q = jnp.concatenate([qv, jnp.ones((n, 1), jnp.float32)], axis=-1)
        q = q / jnp.linalg.norm(q, axis=-1, keepdims=True)
        return jnp.concatenate([t, q], axis=-1)

    poses_rest = make_se3(k1, k2, N_POSES - 1, 1.0, 0.2)
    edge_meas = make_se3(k3, k4, N_EDGES, 1.0, 0.2)
    edge_weights = jax.random.uniform(k5, (N_EDGES, 6), dtype=jnp.float32)
    edges_src = jax.random.randint(k6, (N_EDGES,), 0, N_POSES)
    edges_dst = jax.random.randint(k7, (N_EDGES,), 0, N_POSES)
    return {
        "poses_rest": poses_rest,
        "edge_meas": edge_meas,
        "edge_weights": edge_weights,
        "edges_src": edges_src,
        "edges_dst": edges_dst,
    }


def reference(poses_rest, edge_meas, edge_weights, edges_src, edges_dst):
    pose_0 = jnp.zeros((1, 7), jnp.float32).at[0, 6].set(1.0)
    all_poses = jnp.concatenate([pose_0, poses_rest], axis=0)
    src_poses = jnp.take(all_poses, edges_src, axis=0)
    dst_poses = jnp.take(all_poses, edges_dst, axis=0)
    pred_rel_pose = _se3_mul(_se3_inv(src_poses), dst_poses)
    diff_pose = _se3_mul(_se3_inv(edge_meas), pred_rel_pose)
    error = _se3_log(diff_pose)
    weighted_error = error * edge_weights
    return weighted_error.reshape(-1)

if __name__ == "__main__":
    import jax
    _d = setup_inputs()
    print(jax.jit(kernel)(*tuple(_d.values())))

</pallas_src>

<mosaic_0001>
#map = affine_map<(d0, d1) -> (0, 0)>
#map1 = affine_map<(d0, d1) -> (0)>
module attributes {stable_mosaic.version = 14 : i64} {
  func.func @_conv_body(%arg0: i32, %arg1: i32, %arg2: memref<7x1600000xf32, #tpu.memory_space<hbm>>, %arg3: memref<6x1600000xf32, #tpu.memory_space<hbm>>, %arg4: memref<11200000xf32, #tpu.memory_space<hbm>>, %arg5: memref<9600000xf32, #tpu.memory_space<hbm>>, %arg6: memref<8x3200xf32, #tpu.memory_space<vmem>>, %arg7: memref<8x3200xf32, #tpu.memory_space<vmem>>, %arg8: memref<8x3200xf32, #tpu.memory_space<vmem>>, %arg9: memref<8x3200xf32, #tpu.memory_space<vmem>>, %arg10: memref<!tpu.dma_semaphore, #tpu.memory_space<semaphore_mem>>, %arg11: memref<!tpu.dma_semaphore, #tpu.memory_space<semaphore_mem>>, %arg12: memref<!tpu.dma_semaphore, #tpu.memory_space<semaphore_mem>>, %arg13: memref<!tpu.dma_semaphore, #tpu.memory_space<semaphore_mem>>) attributes {dimension_semantics = [#tpu.dimension_semantics<core_parallel>, #tpu.dimension_semantics<subcore_parallel>], iteration_bounds = array<i64: 2, 16>, scalar_prefetch = 0 : i64, scratch_operands = 8 : i64, tpu.core_type = #tpu.core_type<sc_vector_subcore>, window_params = [{transform_indices = #map}, {transform_indices = #map}, {transform_indices = #map1}, {transform_indices = #map1}]} {
    %mul3A = arith.constant 2 : i32
    %mul3A_0 = arith.muli %arg1, %mul3A : i32
    %add3A = arith.addi %mul3A_0, %arg0 : i32
    %add3A_1 = arith.constant 0 : i32
    %add3A_2 = arith.addi %add3A, %add3A_1 : i32
    %min3A = arith.constant 499 : i32
    %min3A_3 = arith.minsi %add3A_2, %min3A : i32
    %mul3A_4 = arith.constant 3200 : i32
    %mul3A_5 = arith.muli %min3A_3, %mul3A_4 : i32
    %dma_start3A = arith.constant 0 : i32
    %dma_start3A_6 = arith.constant 0 : i32
    %dma_start3A_7 = tpu.memref_slice %arg6[%dma_start3A, %dma_start3A_6] : memref<8x3200xf32, #tpu.memory_space<vmem>> -> memref<7x3200xf32, #tpu.memory_space<vmem>>
    %dma_start3A_8 = arith.constant 0 : i32
    %dma_start3A_9 = tpu.memref_slice %arg2[%dma_start3A_8, %mul3A_5] : memref<7x1600000xf32, #tpu.memory_space<hbm>> -> memref<7x3200xf32, #tpu.memory_space<hbm>>
    %dma_start3A_10 = arith.constant 0 : i32
    %dma_start3A_11 = arith.constant 0 : i32
    %dma_start3A_12 = tpu.memref_slice %arg6[%dma_start3A_10, %dma_start3A_11] : memref<8x3200xf32, #tpu.memory_space<vmem>> -> memref<7x3200xf32, #tpu.memory_space<vmem>>
    %dma_start3A_13 = arith.constant 0 : i32
    %dma_start3A_14 = tpu.memref_slice %arg2[%dma_start3A_13, %mul3A_5] : memref<7x1600000xf32, #tpu.memory_space<hbm>> -> memref<7x3200xf32, #tpu.memory_space<hbm>>
    tpu.enqueue_dma source(%dma_start3A_14 : memref<7x3200xf32, #tpu.memory_space<hbm>>) target(%dma_start3A_12 : memref<7x3200xf32, #tpu.memory_space<vmem>>) target_semaphore(%arg10 : memref<!tpu.dma_semaphore, #tpu.memory_space<semaphore_mem>>)
    %dma_start3A_15 = arith.constant 0 : i32
    %dma_start3A_16 = arith.constant 0 : i32
    %dma_start3A_17 = tpu.memref_slice %arg8[%dma_start3A_15, %dma_start3A_16] : memref<8x3200xf32, #tpu.memory_space<vmem>> -> memref<6x3200xf32, #tpu.memory_space<vmem>>
    %dma_start3A_18 = arith.constant 0 : i32
    %dma_start3A_19 = tpu.memref_slice %arg3[%dma_start3A_18, %mul3A_5] : memref<6x1600000xf32, #tpu.memory_space<hbm>> -> memref<6x3200xf32, #tpu.memory_space<hbm>>
    %dma_start3A_20 = arith.constant 0 : i32
    %dma_start3A_21 = arith.constant 0 : i32
    %dma_start3A_22 = tpu.memref_slice %arg8[%dma_start3A_20, %dma_start3A_21] : memref<8x3200xf32, #tpu.memory_space<vmem>> -> memref<6x3200xf32, #tpu.memory_space<vmem>>
    %dma_start3A_23 = arith.constant 0 : i32
    %dma_start3A_24 = tpu.memref_slice %arg3[%dma_start3A_23, %mul3A_5] : memref<6x1600000xf32, #tpu.memory_space<hbm>> -> memref<6x3200xf32, #tpu.memory_space<hbm>>
    tpu.enqueue_dma source(%dma_start3A_24 : memref<6x3200xf32, #tpu.memory_space<hbm>>) target(%dma_start3A_22 : memref<6x3200xf32, #tpu.memory_space<vmem>>) target_semaphore(%arg10 : memref<!tpu.dma_semaphore, #tpu.memory_space<semaphore_mem>>)
    %add3A_25 = arith.constant 32 : i32
    %add3A_26 = arith.addi %add3A, %add3A_25 : i32
    %min3A_27 = arith.constant 499 : i32
    %min3A_28 = arith.minsi %add3A_26, %min3A_27 : i32
    %mul3A_29 = arith.constant 3200 : i32
    %mul3A_30 = arith.muli %min3A_28, %mul3A_29 : i32
    %dma_start3A_31 = arith.constant 0 : i32
    %dma_start3A_32 = arith.constant 0 : i32
    %dma_start3A_33 = tpu.memref_slice %arg7[%dma_start3A_31, %dma_start3A_32] : memref<8x3200xf32, #tpu.memory_space<vmem>> -> memref<7x3200xf32, #tpu.memory_space<vmem>>
    %dma_start3A_34 = arith.constant 0 : i32
    %dma_start3A_35 = tpu.memref_slice %arg2[%dma_start3A_34, %mul3A_30] : memref<7x1600000xf32, #tpu.memory_space<hbm>> -> memref<7x3200xf32, #tpu.memory_space<hbm>>
    %dma_start3A_36 = arith.constant 0 : i32
    %dma_start3A_37 = arith.constant 0 : i32
    %dma_start3A_38 = tpu.memref_slice %arg7[%dma_start3A_36, %dma_start3A_37] : memref<8x3200xf32, #tpu.memory_space<vmem>> -> memref<7x3200xf32, #tpu.memory_space<vmem>>
    %dma_start3A_39 = arith.constant 0 : i32
    %dma_start3A_40 = tpu.memref_slice %arg2[%dma_start3A_39, %mul3A_30] : memref<7x1600000xf32, #tpu.memory_space<hbm>> -> memref<7x3200xf32, #tpu.memory_space<hbm>>
    tpu.enqueue_dma source(%dma_start3A_40 : memref<7x3200xf32, #tpu.memory_space<hbm>>) target(%dma_start3A_38 : memref<7x3200xf32, #tpu.memory_space<vmem>>) target_semaphore(%arg11 : memref<!tpu.dma_semaphore, #tpu.memory_space<semaphore_mem>>)
    %dma_start3A_41 = arith.constant 0 : i32
    %dma_start3A_42 = arith.constant 0 : i32
    %dma_start3A_43 = tpu.memref_slice %arg9[%dma_start3A_41, %dma_start3A_42] : memref<8x3200xf32, #tpu.memory_space<vmem>> -> memref<6x3200xf32, #tpu.memory_space<vmem>>
    %dma_start3A_44 = arith.constant 0 : i32
    %dma_start3A_45 = tpu.memref_slice %arg3[%dma_start3A_44, %mul3A_30] : memref<6x1600000xf32, #tpu.memory_space<hbm>> -> memref<6x3200xf32, #tpu.memory_space<hbm>>
    %dma_start3A_46 = arith.constant 0 : i32
    %dma_start3A_47 = arith.constant 0 : i32
    %dma_start3A_48 = tpu.memref_slice %arg9[%dma_start3A_46, %dma_start3A_47] : memref<8x3200xf32, #tpu.memory_space<vmem>> -> memref<6x3200xf32, #tpu.memory_space<vmem>>
    %dma_start3A_49 = arith.constant 0 : i32
    %dma_start3A_50 = tpu.memref_slice %arg3[%dma_start3A_49, %mul3A_30] : memref<6x1600000xf32, #tpu.memory_space<hbm>> -> memref<6x3200xf32, #tpu.memory_space<hbm>>
    tpu.enqueue_dma source(%dma_start3A_50 : memref<6x3200xf32, #tpu.memory_space<hbm>>) target(%dma_start3A_48 : memref<6x3200xf32, #tpu.memory_space<vmem>>) target_semaphore(%arg11 : memref<!tpu.dma_semaphore, #tpu.memory_space<semaphore_mem>>)
    %scan3A = arith.constant 0 : i32
    %scan3A_51 = arith.constant 0 : i32
    %scan3A_52 = arith.constant 8 : i32
    %scan3A_53 = arith.addi %scan3A_51, %scan3A_52 : i32
    %scan3A_54 = arith.constant 1 : i32
    scf.for %scan3A_103 = %scan3A_51 to %scan3A_53 step %scan3A_54  : i32 {
      %mul3A_104 = arith.constant 2 : i32
      %mul3A_105 = arith.muli %mul3A_104, %scan3A_103 : i32
      %add3A_106 = arith.constant 0 : i32
      %add3A_107 = arith.addi %mul3A_105, %add3A_106 : i32
      %dma_wait3A_108 = arith.constant 0 : i32
      %dma_wait3A_109 = arith.constant 0 : i32
      %dma_wait3A_110 = tpu.memref_slice %arg6[%dma_wait3A_108, %dma_wait3A_109] : memref<8x3200xf32, #tpu.memory_space<vmem>> -> memref<7x3200xf32, #tpu.memory_space<vmem>>
      %dma_wait3A_111 = arith.constant 0 : i32
      %dma_wait3A_112 = arith.constant 0 : i32
      %dma_wait3A_113 = tpu.memref_slice %arg2[%dma_wait3A_111, %dma_wait3A_112] : memref<7x1600000xf32, #tpu.memory_space<hbm>> -> memref<7x3200xf32, #tpu.memory_space<hbm>>
      %dma_wait3A_114 = arith.constant 0 : i32
      %dma_wait3A_115 = arith.constant 0 : i32
      %dma_wait3A_116 = tpu.memref_slice %arg6[%dma_wait3A_114, %dma_wait3A_115] : memref<8x3200xf32, #tpu.memory_space<vmem>> -> memref<7x3200xf32, #tpu.memory_space<vmem>>
      %dma_wait3A_117 = arith.constant 0 : i32
      %dma_wait3A_118 = arith.constant 0 : i32
      %dma_wait3A_119 = tpu.memref_slice %arg2[%dma_wait3A_117, %dma_wait3A_118] : memref<7x1600000xf32, #tpu.memory_space<hbm>> -> memref<7x3200xf32, #tpu.memory_space<hbm>>
      tpu.wait_dma2 semaphore(%arg10 : memref<!tpu.dma_semaphore, #tpu.memory_space<semaphore_mem>>) src(%dma_wait3A_119 : memref<7x3200xf32, #tpu.memory_space<hbm>>) dst(%dma_wait3A_116 : memref<7x3200xf32, #tpu.memory_space<vmem>>)
      %dma_wait3A_120 = arith.constant 0 : i32
      %dma_wait3A_121 = arith.constant 0 : i32
      %dma_wait3A_122 = tpu.memref_slice %arg8[%dma_wait3A_120, %dma_wait3A_121] : memref<8x3200xf32, #tpu.memory_space<vmem>> -> memref<6x3200xf32, #tpu.memory_space<vmem>>
      %dma_wait3A_123 = arith.constant 0 : i32
      %dma_wait3A_124 = arith.constant 0 : i32
      %dma_wait3A_125 = tpu.memref_slice %arg3[%dma_wait3A_123, %dma_wait3A_124] : memref<6x1600000xf32, #tpu.memory_space<hbm>> -> memref<6x3200xf32, #tpu.memory_space<hbm>>
      %dma_wait3A_126 = arith.constant 0 : i32
      %dma_wait3A_127 = arith.constant 0 : i32
      %dma_wait3A_128 = tpu.memref_slice %arg8[%dma_wait3A_126, %dma_wait3A_127] : memref<8x3200xf32, #tpu.memory_space<vmem>> -> memref<6x3200xf32, #tpu.memory_space<vmem>>
      %dma_wait3A_129 = arith.constant 0 : i32
      %dma_wait3A_130 = arith.constant 0 : i32
      %dma_wait3A_131 = tpu.memref_slice %arg3[%dma_wait3A_129, %dma_wait3A_130] : memref<6x1600000xf32, #tpu.memory_space<hbm>> -> memref<6x3200xf32, #tpu.memory_space<hbm>>
      tpu.wait_dma2 semaphore(%arg10 : memref<!tpu.dma_semaphore, #tpu.memory_space<semaphore_mem>>) src(%dma_wait3A_131 : memref<6x3200xf32, #tpu.memory_space<hbm>>) dst(%dma_wait3A_128 : memref<6x3200xf32, #tpu.memory_space<vmem>>)
      %mul3A_132 = arith.constant 32 : i32
      %mul3A_133 = arith.muli %add3A_107, %mul3A_132 : i32
      %add3A_134 = arith.addi %add3A, %mul3A_133 : i32
      %min3A_135 = arith.constant 499 : i32
      %min3A_136 = arith.minsi %add3A_134, %min3A_135 : i32
      %mul3A_137 = arith.constant 3200 : i32
      %mul3A_138 = arith.muli %min3A_136, %mul3A_137 : i32
      %add3A_139 = arith.constant 0 : i32
      %add3A_140 = arith.addi %add3A_139, %mul3A_138 : i32
      %dma_start3A_141 = arith.constant 0 : i32
      %dma_start3A_142 = arith.constant 0 : i32
      %dma_start3A_143 = tpu.memref_slice %arg6[%dma_start3A_141, %dma_start3A_142] : memref<8x3200xf32, #tpu.memory_space<vmem>> -> memref<1x3200xf32, #tpu.memory_space<vmem>>
      %dma_start3A_144 = tpu.memref_squeeze %dma_start3A_143 : memref<1x3200xf32, #tpu.memory_space<vmem>> -> memref<3200xf32, #tpu.memory_space<vmem>>
      %dma_start3A_145 = tpu.memref_slice %arg4[%add3A_140] : memref<11200000xf32, #tpu.memory_space<hbm>> -> memref<3200xf32, #tpu.memory_space<hbm>>
      %dma_start3A_146 = tpu.memref_slice %arg4[%add3A_140] : memref<11200000xf32, #tpu.memory_space<hbm>> -> memref<3200xf32, #tpu.memory_space<hbm>>
      %dma_start3A_147 = arith.constant 0 : i32
      %dma_start3A_148 = tpu.memref_slice %arg6[%dma_start3A_141, %dma_start3A_147] : memref<8x3200xf32, #tpu.memory_space<vmem>> -> memref<1x3200xf32, #tpu.memory_space<vmem>>
      %dma_start3A_149 = tpu.memref_squeeze %dma_start3A_148 : memref<1x3200xf32, #tpu.memory_space<vmem>> -> memref<3200xf32, #tpu.memory_space<vmem>>
      tpu.enqueue_dma source(%dma_start3A_149 : memref<3200xf32, #tpu.memory_space<vmem>>) target(%dma_start3A_146 : memref<3200xf32, #tpu.memory_space<hbm>>) target_semaphore(%arg12 : memref<!tpu.dma_semaphore, #tpu.memory_space<semaphore_mem>>)
      %add3A_150 = arith.constant 1600000 : i32
      %add3A_151 = arith.addi %add3A_150, %mul3A_138 : i32
      %dma_start3A_152 = arith.constant 1 : i32
      %dma_start3A_153 = arith.constant 0 : i32
      %dma_start3A_154 = tpu.memref_slice %arg6[%dma_start3A_152, %dma_start3A_153] : memref<8x3200xf32, #tpu.memory_space<vmem>> -> memref<1x3200xf32, #tpu.memory_space<vmem>>
      %dma_start3A_155 = tpu.memref_squeeze %dma_start3A_154 : memref<1x3200xf32, #tpu.memory_space<vmem>> -> memref<3200xf32, #tpu.memory_space<vmem>>
      %dma_start3A_156 = tpu.memref_slice %arg4[%add3A_151] : memref<11200000xf32, #tpu.memory_space<hbm>> -> memref<3200xf32, #tpu.memory_space<hbm>>
      %dma_start3A_157 = tpu.memref_slice %arg4[%add3A_151] : memref<11200000xf32, #tpu.memory_space<hbm>> -> memref<3200xf32, #tpu.memory_space<hbm>>
      %dma_start3A_158 = arith.constant 0 : i32
      %dma_start3A_159 = tpu.memref_slice %arg6[%dma_start3A_152, %dma_start3A_158] : memref<8x3200xf32, #tpu.memory_space<vmem>> -> memref<1x3200xf32, #tpu.memory_space<vmem>>
      %dma_start3A_160 = tpu.memref_squeeze %dma_start3A_159 : memref<1x3200xf32, #tpu.memory_space<vmem>> -> memref<3200xf32, #tpu.memory_space<vmem>>
      tpu.enqueue_dma source(%dma_start3A_160 : memref<3200xf32, #tpu.memory_space<vmem>>) target(%dma_start3A_157 : memref<3200xf32, #tpu.memory_space<hbm>>) target_semaphore(%arg12 : memref<!tpu.dma_semaphore, #tpu.memory_space<semaphore_mem>>)
      %add3A_161 = arith.constant 3200000 : i32
      %add3A_162 = arith.addi %add3A_161, %mul3A_138 : i32
      %dma_start3A_163 = arith.constant 2 : i32
      %dma_start3A_164 = arith.constant 0 : i32
      %dma_start3A_165 = tpu.memref_slice %arg6[%dma_start3A_163, %dma_start3A_164] : memref<8x3200xf32, #tpu.memory_space<vmem>> -> memref<1x3200xf32, #tpu.memory_space<vmem>>
      %dma_start3A_166 = tpu.memref_squeeze %dma_start3A_165 : memref<1x3200xf32, #tpu.memory_space<vmem>> -> memref<3200xf32, #tpu.memory_space<vmem>>
      %dma_start3A_167 = tpu.memref_slice %arg4[%add3A_162] : memref<11200000xf32, #tpu.memory_space<hbm>> -> memref<3200xf32, #tpu.memory_space<hbm>>
      %dma_start3A_168 = tpu.memref_slice %arg4[%add3A_162] : memref<11200000xf32, #tpu.memory_space<hbm>> -> memref<3200xf32, #tpu.memory_space<hbm>>
      %dma_start3A_169 = arith.constant 0 : i32
      %dma_start3A_170 = tpu.memref_slice %arg6[%dma_start3A_163, %dma_start3A_169] : memref<8x3200xf32, #tpu.memory_space<vmem>> -> memref<1x3200xf32, #tpu.memory_space<vmem>>
      %dma_start3A_171 = tpu.memref_squeeze %dma_start3A_170 : memref<1x3200xf32, #tpu.memory_space<vmem>> -> memref<3200xf32, #tpu.memory_space<vmem>>
      tpu.enqueue_dma source(%dma_start3A_171 : memref<3200xf32, #tpu.memory_space<vmem>>) target(%dma_start3A_168 : memref<3200xf32, #tpu.memory_space<hbm>>) target_semaphore(%arg12 : memref<!tpu.dma_semaphore, #tpu.memory_space<semaphore_mem>>)
      %add3A_172 = arith.constant 4800000 : i32
      %add3A_173 = arith.addi %add3A_172, %mul3A_138 : i32
      %dma_start3A_174 = arith.constant 3 : i32
      %dma_start3A_175 = arith.constant 0 : i32
      %dma_start3A_176 = tpu.memref_slice %arg6[%dma_start3A_174, %dma_start3A_175] : memref<8x3200xf32, #tpu.memory_space<vmem>> -> memref<1x3200xf32, #tpu.memory_space<vmem>>
      %dma_start3A_177 = tpu.memref_squeeze %dma_start3A_176 : memref<1x3200xf32, #tpu.memory_space<vmem>> -> memref<3200xf32, #tpu.memory_space<vmem>>
      %dma_start3A_178 = tpu.memref_slice %arg4[%add3A_173] : memref<11200000xf32, #tpu.memory_space<hbm>> -> memref<3200xf32, #tpu.memory_space<hbm>>
      %dma_start3A_179 = tpu.memref_slice %arg4[%add3A_173] : memref<11200000xf32, #tpu.memory_space<hbm>> -> memref<3200xf32, #tpu.memory_space<hbm>>
      %dma_start3A_180 = arith.constant 0 : i32
      %dma_start3A_181 = tpu.memref_slice %arg6[%dma_start3A_174, %dma_start3A_180] : memref<8x3200xf32, #tpu.memory_space<vmem>> -> memref<1x3200xf32, #tpu.memory_space<vmem>>
      %dma_start3A_182 = tpu.memref_squeeze %dma_start3A_181 : memref<1x3200xf32, #tpu.memory_space<vmem>> -> memref<3200xf32, #tpu.memory_space<vmem>>
      tpu.enqueue_dma source(%dma_start3A_182 : memref<3200xf32, #tpu.memory_space<vmem>>) target(%dma_start3A_179 : memref<3200xf32, #tpu.memory_space<hbm>>) target_semaphore(%arg12 : memref<!tpu.dma_semaphore, #tpu.memory_space<semaphore_mem>>)
      %add3A_183 = arith.constant 6400000 : i32
      %add3A_184 = arith.addi %add3A_183, %mul3A_138 : i32
      %dma_start3A_185 = arith.constant 4 : i32
      %dma_start3A_186 = arith.constant 0 : i32
      %dma_start3A_187 = tpu.memref_slice %arg6[%dma_start3A_185, %dma_start3A_186] : memref<8x3200xf32, #tpu.memory_space<vmem>> -> memref<1x3200xf32, #tpu.memory_space<vmem>>
      %dma_start3A_188 = tpu.memref_squeeze %dma_start3A_187 : memref<1x3200xf32, #tpu.memory_space<vmem>> -> memref<3200xf32, #tpu.memory_space<vmem>>
      %dma_start3A_189 = tpu.memref_slice %arg4[%add3A_184] : memref<11200000xf32, #tpu.memory_space<hbm>> -> memref<3200xf32, #tpu.memory_space<hbm>>
      %dma_start3A_190 = tpu.memref_slice %arg4[%add3A_184] : memref<11200000xf32, #tpu.memory_space<hbm>> -> memref<3200xf32, #tpu.memory_space<hbm>>
      %dma_start3A_191 = arith.constant 0 : i32
      %dma_start3A_192 = tpu.memref_slice %arg6[%dma_start3A_185, %dma_start3A_191] : memref<8x3200xf32, #tpu.memory_space<vmem>> -> memref<1x3200xf32, #tpu.memory_space<vmem>>
      %dma_start3A_193 = tpu.memref_squeeze %dma_start3A_192 : memref<1x3200xf32, #tpu.memory_space<vmem>> -> memref<3200xf32, #tpu.memory_space<vmem>>
      tpu.enqueue_dma source(%dma_start3A_193 : memref<3200xf32, #tpu.memory_space<vmem>>) target(%dma_start3A_190 : memref<3200xf32, #tpu.memory_space<hbm>>) target_semaphore(%arg12 : memref<!tpu.dma_semaphore, #tpu.memory_space<semaphore_mem>>)
      %add3A_194 = arith.constant 8000000 : i32
      %add3A_195 = arith.addi %add3A_194, %mul3A_138 : i32
      %dma_start3A_196 = arith.constant 5 : i32
      %dma_start3A_197 = arith.constant 0 : i32
      %dma_start3A_198 = tpu.memref_slice %arg6[%dma_start3A_196, %dma_start3A_197] : memref<8x3200xf32, #tpu.memory_space<vmem>> -> memref<1x3200xf32, #tpu.memory_space<vmem>>
      %dma_start3A_199 = tpu.memref_squeeze %dma_start3A_198 : memref<1x3200xf32, #tpu.memory_space<vmem>> -> memref<3200xf32, #tpu.memory_space<vmem>>
      %dma_start3A_200 = tpu.memref_slice %arg4[%add3A_195] : memref<11200000xf32, #tpu.memory_space<hbm>> -> memref<3200xf32, #tpu.memory_space<hbm>>
      %dma_start3A_201 = tpu.memref_slice %arg4[%add3A_195] : memref<11200000xf32, #tpu.memory_space<hbm>> -> memref<3200xf32, #tpu.memory_space<hbm>>
      %dma_start3A_202 = arith.constant 0 : i32
      %dma_start3A_203 = tpu.memref_slice %arg6[%dma_start3A_196, %dma_start3A_202] : memref<8x3200xf32, #tpu.memory_space<vmem>> -> memref<1x3200xf32, #tpu.memory_space<vmem>>
      %dma_start3A_204 = tpu.memref_squeeze %dma_start3A_203 : memref<1x3200xf32, #tpu.memory_space<vmem>> -> memref<3200xf32, #tpu.memory_space<vmem>>
      tpu.enqueue_dma source(%dma_start3A_204 : memref<3200xf32, #tpu.memory_space<vmem>>) target(%dma_start3A_201 : memref<3200xf32, #tpu.memory_space<hbm>>) target_semaphore(%arg12 : memref<!tpu.dma_semaphore, #tpu.memory_space<semaphore_mem>>)
      %add3A_205 = arith.constant 9600000 : i32
      %add3A_206 = arith.addi %add3A_205, %mul3A_138 : i32
      %dma_start3A_207 = arith.constant 6 : i32
      %dma_start3A_208 = arith.constant 0 : i32
      %dma_start3A_209 = tpu.memref_slice %arg6[%dma_start3A_207, %dma_start3A_208] : memref<8x3200xf32, #tpu.memory_space<vmem>> -> memref<1x3200xf32, #tpu.memory_space<vmem>>
      %dma_start3A_210 = tpu.memref_squeeze %dma_start3A_209 : memref<1x3200xf32, #tpu.memory_space<vmem>> -> memref<3200xf32, #tpu.memory_space<vmem>>
      %dma_start3A_211 = tpu.memref_slice %arg4[%add3A_206] : memref<11200000xf32, #tpu.memory_space<hbm>> -> memref<3200xf32, #tpu.memory_space<hbm>>
      %dma_start3A_212 = tpu.memref_slice %arg4[%add3A_206] : memref<11200000xf32, #tpu.memory_space<hbm>> -> memref<3200xf32, #tpu.memory_space<hbm>>
      %dma_start3A_213 = arith.constant 0 : i32
      %dma_start3A_214 = tpu.memref_slice %arg6[%dma_start3A_207, %dma_start3A_213] : memref<8x3200xf32, #tpu.memory_space<vmem>> -> memref<1x3200xf32, #tpu.memory_space<vmem>>
      %dma_start3A_215 = tpu.memref_squeeze %dma_start3A_214 : memref<1x3200xf32, #tpu.memory_space<vmem>> -> memref<3200xf32, #tpu.memory_space<vmem>>
      tpu.enqueue_dma source(%dma_start3A_215 : memref<3200xf32, #tpu.memory_space<vmem>>) target(%dma_start3A_212 : memref<3200xf32, #tpu.memory_space<hbm>>) target_semaphore(%arg12 : memref<!tpu.dma_semaphore, #tpu.memory_space<semaphore_mem>>)
      %add3A_216 = arith.constant 0 : i32
      %add3A_217 = arith.addi %add3A_216, %mul3A_138 : i32
      %dma_start3A_218 = arith.constant 0 : i32
      %dma_start3A_219 = arith.constant 0 : i32
      %dma_start3A_220 = tpu.memref_slice %arg8[%dma_start3A_218, %dma_start3A_219] : memref<8x3200xf32, #tpu.memory_space<vmem>> -> memref<1x3200xf32, #tpu.memory_space<vmem>>
      %dma_start3A_221 = tpu.memref_squeeze %dma_start3A_220 : memref<1x3200xf32, #tpu.memory_space<vmem>> -> memref<3200xf32, #tpu.memory_space<vmem>>
      %dma_start3A_222 = tpu.memref_slice %arg5[%add3A_217] : memref<9600000xf32, #tpu.memory_space<hbm>> -> memref<3200xf32, #tpu.memory_space<hbm>>
      %dma_start3A_223 = tpu.memref_slice %arg5[%add3A_217] : memref<9600000xf32, #tpu.memory_space<hbm>> -> memref<3200xf32, #tpu.memory_space<hbm>>
      %dma_start3A_224 = arith.constant 0 : i32
      %dma_start3A_225 = tpu.memref_slice %arg8[%dma_start3A_218, %dma_start3A_224] : memref<8x3200xf32, #tpu.memory_space<vmem>> -> memref<1x3200xf32, #tpu.memory_space<vmem>>
      %dma_start3A_226 = tpu.memref_squeeze %dma_start3A_225 : memref<1x3200xf32, #tpu.memory_space<vmem>> -> memref<3200xf32, #tpu.memory_space<vmem>>
      tpu.enqueue_dma source(%dma_start3A_226 : memref<3200xf32, #tpu.memory_space<vmem>>) target(%dma_start3A_223 : memref<3200xf32, #tpu.memory_space<hbm>>) target_semaphore(%arg12 : memref<!tpu.dma_semaphore, #tpu.memory_space<semaphore_mem>>)
      %add3A_227 = arith.constant 1600000 : i32
      %add3A_228 = arith.addi %add3A_227, %mul3A_138 : i32
      %dma_start3A_229 = arith.constant 1 : i32
      %dma_start3A_230 = arith.constant 0 : i32
      %dma_start3A_231 = tpu.memref_slice %arg8[%dma_start3A_229, %dma_start3A_230] : memref<8x3200xf32, #tpu.memory_space<vmem>> -> memref<1x3200xf32, #tpu.memory_space<vmem>>
      %dma_start3A_232 = tpu.memref_squeeze %dma_start3A_231 : memref<1x3200xf32, #tpu.memory_space<vmem>> -> memref<3200xf32, #tpu.memory_space<vmem>>
      %dma_start3A_233 = tpu.memref_slice %arg5[%add3A_228] : memref<9600000xf32, #tpu.memory_space<hbm>> -> memref<3200xf32, #tpu.memory_space<hbm>>
      %dma_start3A_234 = tpu.memref_slice %arg5[%add3A_228] : memref<9600000xf32, #tpu.memory_space<hbm>> -> memref<3200xf32, #tpu.memory_space<hbm>>
      %dma_start3A_235 = arith.constant 0 : i32
      %dma_start3A_236 = tpu.memref_slice %arg8[%dma_start3A_229, %dma_start3A_235] : memref<8x3200xf32, #tpu.memory_space<vmem>> -> memref<1x3200xf32, #tpu.memory_space<vmem>>
      %dma_start3A_237 = tpu.memref_squeeze %dma_start3A_236 : memref<1x3200xf32, #tpu.memory_space<vmem>> -> memref<3200xf32, #tpu.memory_space<vmem>>
      tpu.enqueue_dma source(%dma_start3A_237 : memref<3200xf32, #tpu.memory_space<vmem>>) target(%dma_start3A_234 : memref<3200xf32, #tpu.memory_space<hbm>>) target_semaphore(%arg12 : memref<!tpu.dma_semaphore, #tpu.memory_space<semaphore_mem>>)
      %add3A_238 = arith.constant 3200000 : i32
      %add3A_239 = arith.addi %add3A_238, %mul3A_138 : i32
      %dma_start3A_240 = arith.constant 2 : i32
      %dma_start3A_241 = arith.constant 0 : i32
      %dma_start3A_242 = tpu.memref_slice %arg8[%dma_start3A_240, %dma_start3A_241] : memref<8x3200xf32, #tpu.memory_space<vmem>> -> memref<1x3200xf32, #tpu.memory_space<vmem>>
      %dma_start3A_243 = tpu.memref_squeeze %dma_start3A_242 : memref<1x3200xf32, #tpu.memory_space<vmem>> -> memref<3200xf32, #tpu.memory_space<vmem>>
      %dma_start3A_244 = tpu.memref_slice %arg5[%add3A_239] : memref<9600000xf32, #tpu.memory_space<hbm>> -> memref<3200xf32, #tpu.memory_space<hbm>>
      %dma_start3A_245 = tpu.memref_slice %arg5[%add3A_239] : memref<9600000xf32, #tpu.memory_space<hbm>> -> memref<3200xf32, #tpu.memory_space<hbm>>
      %dma_start3A_246 = arith.constant 0 : i32
      %dma_start3A_247 = tpu.memref_slice %arg8[%dma_start3A_240, %dma_start3A_246] : memref<8x3200xf32, #tpu.memory_space<vmem>> -> memref<1x3200xf32, #tpu.memory_space<vmem>>
      %dma_start3A_248 = tpu.memref_squeeze %dma_start3A_247 : memref<1x3200xf32, #tpu.memory_space<vmem>> -> memref<3200xf32, #tpu.memory_space<vmem>>
      tpu.enqueue_dma source(%dma_start3A_248 : memref<3200xf32, #tpu.memory_space<vmem>>) target(%dma_start3A_245 : memref<3200xf32, #tpu.memory_space<hbm>>) target_semaphore(%arg12 : memref<!tpu.dma_semaphore, #tpu.memory_space<semaphore_mem>>)
      %add3A_249 = arith.constant 4800000 : i32
      %add3A_250 = arith.addi %add3A_249, %mul3A_138 : i32
      %dma_start3A_251 = arith.constant 3 : i32
      %dma_start3A_252 = arith.constant 0 : i32
      %dma_start3A_253 = tpu.memref_slice %arg8[%dma_start3A_251, %dma_start3A_252] : memref<8x3200xf32, #tpu.memory_space<vmem>> -> memref<1x3200xf32, #tpu.memory_space<vmem>>
      %dma_start3A_254 = tpu.memref_squeeze %dma_start3A_253 : memref<1x3200xf32, #tpu.memory_space<vmem>> -> memref<3200xf32, #tpu.memory_space<vmem>>
      %dma_start3A_255 = tpu.memref_slice %arg5[%add3A_250] : memref<9600000xf32, #tpu.memory_space<hbm>> -> memref<3200xf32, #tpu.memory_space<hbm>>
      %dma_start3A_256 = tpu.memref_slice %arg5[%add3A_250] : memref<9600000xf32, #tpu.memory_space<hbm>> -> memref<3200xf32, #tpu.memory_space<hbm>>
      %dma_start3A_257 = arith.constant 0 : i32
      %dma_start3A_258 = tpu.memref_slice %arg8[%dma_start3A_251, %dma_start3A_257] : memref<8x3200xf32, #tpu.memory_space<vmem>> -> memref<1x3200xf32, #tpu.memory_space<vmem>>
      %dma_start3A_259 = tpu.memref_squeeze %dma_start3A_258 : memref<1x3200xf32, #tpu.memory_space<vmem>> -> memref<3200xf32, #tpu.memory_space<vmem>>
      tpu.enqueue_dma source(%dma_start3A_259 : memref<3200xf32, #tpu.memory_space<vmem>>) target(%dma_start3A_256 : memref<3200xf32, #tpu.memory_space<hbm>>) target_semaphore(%arg12 : memref<!tpu.dma_semaphore, #tpu.memory_space<semaphore_mem>>)
      %add3A_260 = arith.constant 6400000 : i32
      %add3A_261 = arith.addi %add3A_260, %mul3A_138 : i32
      %dma_start3A_262 = arith.constant 4 : i32
      %dma_start3A_263 = arith.constant 0 : i32
      %dma_start3A_264 = tpu.memref_slice %arg8[%dma_start3A_262, %dma_start3A_263] : memref<8x3200xf32, #tpu.memory_space<vmem>> -> memref<1x3200xf32, #tpu.memory_space<vmem>>
      %dma_start3A_265 = tpu.memref_squeeze %dma_start3A_264 : memref<1x3200xf32, #tpu.memory_space<vmem>> -> memref<3200xf32, #tpu.memory_space<vmem>>
      %dma_start3A_266 = tpu.memref_slice %arg5[%add3A_261] : memref<9600000xf32, #tpu.memory_space<hbm>> -> memref<3200xf32, #tpu.memory_space<hbm>>
      %dma_start3A_267 = tpu.memref_slice %arg5[%add3A_261] : memref<9600000xf32, #tpu.memory_space<hbm>> -> memref<3200xf32, #tpu.memory_space<hbm>>
      %dma_start3A_268 = arith.constant 0 : i32
      %dma_start3A_269 = tpu.memref_slice %arg8[%dma_start3A_262, %dma_start3A_268] : memref<8x3200xf32, #tpu.memory_space<vmem>> -> memref<1x3200xf32, #tpu.memory_space<vmem>>
      %dma_start3A_270 = tpu.memref_squeeze %dma_start3A_269 : memref<1x3200xf32, #tpu.memory_space<vmem>> -> memref<3200xf32, #tpu.memory_space<vmem>>
      tpu.enqueue_dma source(%dma_start3A_270 : memref<3200xf32, #tpu.memory_space<vmem>>) target(%dma_start3A_267 : memref<3200xf32, #tpu.memory_space<hbm>>) target_semaphore(%arg12 : memref<!tpu.dma_semaphore, #tpu.memory_space<semaphore_mem>>)
      %add3A_271 = arith.constant 8000000 : i32
      %add3A_272 = arith.addi %add3A_271, %mul3A_138 : i32
      %dma_start3A_273 = arith.constant 5 : i32
      %dma_start3A_274 = arith.constant 0 : i32
      %dma_start3A_275 = tpu.memref_slice %arg8[%dma_start3A_273, %dma_start3A_274] : memref<8x3200xf32, #tpu.memory_space<vmem>> -> memref<1x3200xf32, #tpu.memory_space<vmem>>
      %dma_start3A_276 = tpu.memref_squeeze %dma_start3A_275 : memref<1x3200xf32, #tpu.memory_space<vmem>> -> memref<3200xf32, #tpu.memory_space<vmem>>
      %dma_start3A_277 = tpu.memref_slice %arg5[%add3A_272] : memref<9600000xf32, #tpu.memory_space<hbm>> -> memref<3200xf32, #tpu.memory_space<hbm>>
      %dma_start3A_278 = tpu.memref_slice %arg5[%add3A_272] : memref<9600000xf32, #tpu.memory_space<hbm>> -> memref<3200xf32, #tpu.memory_space<hbm>>
      %dma_start3A_279 = arith.constant 0 : i32
      %dma_start3A_280 = tpu.memref_slice %arg8[%dma_start3A_273, %dma_start3A_279] : memref<8x3200xf32, #tpu.memory_space<vmem>> -> memref<1x3200xf32, #tpu.memory_space<vmem>>
      %dma_start3A_281 = tpu.memref_squeeze %dma_start3A_280 : memref<1x3200xf32, #tpu.memory_space<vmem>> -> memref<3200xf32, #tpu.memory_space<vmem>>
      tpu.enqueue_dma source(%dma_start3A_281 : memref<3200xf32, #tpu.memory_space<vmem>>) target(%dma_start3A_278 : memref<3200xf32, #tpu.memory_space<hbm>>) target_semaphore(%arg12 : memref<!tpu.dma_semaphore, #tpu.memory_space<semaphore_mem>>)
      %dma_wait3A_282 = arith.constant 0 : i32
      %dma_wait3A_283 = arith.constant 0 : i32
      %dma_wait3A_284 = arith.constant 0 : i32
      %dma_wait3A_285 = tpu.memref_slice %arg6[%dma_wait3A_283, %dma_wait3A_284] : memref<8x3200xf32, #tpu.memory_space<vmem>> -> memref<1x3200xf32, #tpu.memory_space<vmem>>
      %dma_wait3A_286 = tpu.memref_squeeze %dma_wait3A_285 : memref<1x3200xf32, #tpu.memory_space<vmem>> -> memref<3200xf32, #tpu.memory_space<vmem>>
      %dma_wait3A_287 = arith.constant 0 : i32
      %dma_wait3A_288 = tpu.memref_slice %arg2[%dma_wait3A_282, %dma_wait3A_287] : memref<7x1600000xf32, #tpu.memory_space<hbm>> -> memref<1x3200xf32, #tpu.memory_space<hbm>>
      %dma_wait3A_289 = tpu.memref_squeeze %dma_wait3A_288 : memref<1x3200xf32, #tpu.memory_space<hbm>> -> memref<3200xf32, #tpu.memory_space<hbm>>
      %dma_wait3A_290 = arith.constant 0 : i32
      %dma_wait3A_291 = tpu.memref_slice %arg6[%dma_wait3A_283, %dma_wait3A_290] : memref<8x3200xf32, #tpu.memory_space<vmem>> -> memref<1x3200xf32, #tpu.memory_space<vmem>>
      %dma_wait3A_292 = tpu.memref_squeeze %dma_wait3A_291 : memref<1x3200xf32, #tpu.memory_space<vmem>> -> memref<3200xf32, #tpu.memory_space<vmem>>
      %dma_wait3A_293 = arith.constant 0 : i32
      %dma_wait3A_294 = tpu.memref_slice %arg2[%dma_wait3A_282, %dma_wait3A_293] : memref<7x1600000xf32, #tpu.memory_space<hbm>> -> memref<1x3200xf32, #tpu.memory_space<hbm>>
      %dma_wait3A_295 = tpu.memref_squeeze %dma_wait3A_294 : memref<1x3200xf32, #tpu.memory_space<hbm>> -> memref<3200xf32, #tpu.memory_space<hbm>>
      tpu.wait_dma2 semaphore(%arg12 : memref<!tpu.dma_semaphore, #tpu.memory_space<semaphore_mem>>) src(%dma_wait3A_295 : memref<3200xf32, #tpu.memory_space<hbm>>) dst(%dma_wait3A_292 : memref<3200xf32, #tpu.memory_space<vmem>>)
      %dma_wait3A_296 = arith.constant 0 : i32
      %dma_wait3A_297 = arith.constant 1 : i32
      %dma_wait3A_298 = arith.constant 0 : i32
      %dma_wait3A_299 = tpu.memref_slice %arg6[%dma_wait3A_297, %dma_wait3A_298] : memref<8x3200xf32, #tpu.memory_space<vmem>> -> memref<1x3200xf32, #tpu.memory_space<vmem>>
      %dma_wait3A_300 = tpu.memref_squeeze %dma_wait3A_299 : memref<1x3200xf32, #tpu.memory_space<vmem>> -> memref<3200xf32, #tpu.memory_space<vmem>>
      %dma_wait3A_301 = arith.constant 0 : i32
      %dma_wait3A_302 = tpu.memref_slice %arg2[%dma_wait3A_296, %dma_wait3A_301] : memref<7x1600000xf32, #tpu.memory_space<hbm>> -> memref<1x3200xf32, #tpu.memory_space<hbm>>
      %dma_wait3A_303 = tpu.memref_squeeze %dma_wait3A_302 : memref<1x3200xf32, #tpu.memory_space<hbm>> -> memref<3200xf32, #tpu.memory_space<hbm>>
      %dma_wait3A_304 = arith.constant 0 : i32
      %dma_wait3A_305 = tpu.memref_slice %arg6[%dma_wait3A_297, %dma_wait3A_304] : memref<8x3200xf32, #tpu.memory_space<vmem>> -> memref<1x3200xf32, #tpu.memory_space<vmem>>
      %dma_wait3A_306 = tpu.memref_squeeze %dma_wait3A_305 : memref<1x3200xf32, #tpu.memory_space<vmem>> -> memref<3200xf32, #tpu.memory_space<vmem>>
      %dma_wait3A_307 = arith.constant 0 : i32
      %dma_wait3A_308 = tpu.memref_slice %arg2[%dma_wait3A_296, %dma_wait3A_307] : memref<7x1600000xf32, #tpu.memory_space<hbm>> -> memref<1x3200xf32, #tpu.memory_space<hbm>>
      %dma_wait3A_309 = tpu.memref_squeeze %dma_wait3A_308 : memref<1x3200xf32, #tpu.memory_space<hbm>> -> memref<3200xf32, #tpu.memory_space<hbm>>
      tpu.wait_dma2 semaphore(%arg12 : memref<!tpu.dma_semaphore, #tpu.memory_space<semaphore_mem>>) src(%dma_wait3A_309 : memref<3200xf32, #tpu.memory_space<hbm>>) dst(%dma_wait3A_306 : memref<3200xf32, #tpu.memory_space<vmem>>)
      %dma_wait3A_310 = arith.constant 0 : i32
      %dma_wait3A_311 = arith.constant 2 : i32
      %dma_wait3A_312 = arith.constant 0 : i32
      %dma_wait3A_313 = tpu.memref_slice %arg6[%dma_wait3A_311, %dma_wait3A_312] : memref<8x3200xf32, #tpu.memory_space<vmem>> -> memref<1x3200xf32, #tpu.memory_space<vmem>>
      %dma_wait3A_314 = tpu.memref_squeeze %dma_wait3A_313 : memref<1x3200xf32, #tpu.memory_space<vmem>> -> memref<3200xf32, #tpu.memory_space<vmem>>
      %dma_wait3A_315 = arith.constant 0 : i32
      %dma_wait3A_316 = tpu.memref_slice %arg2[%dma_wait3A_310, %dma_wait3A_315] : memref<7x1600000xf32, #tpu.memory_space<hbm>> -> memref<1x3200xf32, #tpu.memory_space<hbm>>
      %dma_wait3A_317 = tpu.memref_squeeze %dma_wait3A_316 : memref<1x3200xf32, #tpu.memory_space<hbm>> -> memref<3200xf32, #tpu.memory_space<hbm>>
      %dma_wait3A_318 = arith.constant 0 : i32
      %dma_wait3A_319 = tpu.memref_slice %arg6[%dma_wait3A_311, %dma_wait3A_318] : memref<8x3200xf32, #tpu.memory_space<vmem>> -> memref<1x3200xf32, #tpu.memory_space<vmem>>
      %dma_wait3A_320 = tpu.memref_squeeze %dma_wait3A_319 : memref<1x3200xf32, #tpu.memory_space<vmem>> -> memref<3200xf32, #tpu.memory_space<vmem>>
      %dma_wait3A_321 = arith.constant 0 : i32
      %dma_wait3A_322 = tpu.memref_slice %arg2[%dma_wait3A_310, %dma_wait3A_321] : memref<7x1600000xf32, #tpu.memory_space<hbm>> -> memref<1x3200xf32, #tpu.memory_space<hbm>>
      %dma_wait3A_323 = tpu.memref_squeeze %dma_wait3A_322 : memref<1x3200xf32, #tpu.memory_space<hbm>> -> memref<3200xf32, #tpu.memory_space<hbm>>
      tpu.wait_dma2 semaphore(%arg12 : memref<!tpu.dma_semaphore, #tpu.memory_space<semaphore_mem>>) src(%dma_wait3A_323 : memref<3200xf32, #tpu.memory_space<hbm>>) dst(%dma_wait3A_320 : memref<3200xf32, #tpu.memory_space<vmem>>)
      %dma_wait3A_324 = arith.constant 0 : i32
      %dma_wait3A_325 = arith.constant 3 : i32
      %dma_wait3A_326 = arith.constant 0 : i32
      %dma_wait3A_327 = tpu.memref_slice %arg6[%dma_wait3A_325, %dma_wait3A_326] : memref<8x3200xf32, #tpu.memory_space<vmem>> -> memref<1x3200xf32, #tpu.memory_space<vmem>>
      %dma_wait3A_328 = tpu.memref_squeeze %dma_wait3A_327 : memref<1x3200xf32, #tpu.memory_space<vmem>> -> memref<3200xf32, #tpu.memory_space<vmem>>
      %dma_wait3A_329 = arith.constant 0 : i32
      %dma_wait3A_330 = tpu.memref_slice %arg2[%dma_wait3A_324, %dma_wait3A_329] : memref<7x1600000xf32, #tpu.memory_space<hbm>> -> memref<1x3200xf32, #tpu.memory_space<hbm>>
      %dma_wait3A_331 = tpu.memref_squeeze %dma_wait3A_330 : memref<1x3200xf32, #tpu.memory_space<hbm>> -> memref<3200xf32, #tpu.memory_space<hbm>>
      %dma_wait3A_332 = arith.constant 0 : i32
      %dma_wait3A_333 = tpu.memref_slice %arg6[%dma_wait3A_325, %dma_wait3A_332] : memref<8x3200xf32, #tpu.memory_space<vmem>> -> memref<1x3200xf32, #tpu.memory_space<vmem>>
      %dma_wait3A_334 = tpu.memref_squeeze %dma_wait3A_333 : memref<1x3200xf32, #tpu.memory_space<vmem>> -> memref<3200xf32, #tpu.memory_space<vmem>>
      %dma_wait3A_335 = arith.constant 0 : i32
      %dma_wait3A_336 = tpu.memref_slice %arg2[%dma_wait3A_324, %dma_wait3A_335] : memref<7x1600000xf32, #tpu.memory_space<hbm>> -> memref<1x3200xf32, #tpu.memory_space<hbm>>
      %dma_wait3A_337 = tpu.memref_squeeze %dma_wait3A_336 : memref<1x3200xf32, #tpu.memory_space<hbm>> -> memref<3200xf32, #tpu.memory_space<hbm>>
      tpu.wait_dma2 semaphore(%arg12 : memref<!tpu.dma_semaphore, #tpu.memory_space<semaphore_mem>>) src(%dma_wait3A_337 : memref<3200xf32, #tpu.memory_space<hbm>>) dst(%dma_wait3A_334 : memref<3200xf32, #tpu.memory_space<vmem>>)
      %dma_wait3A_338 = arith.constant 0 : i32
      %dma_wait3A_339 = arith.constant 4 : i32
      %dma_wait3A_340 = arith.constant 0 : i32
      %dma_wait3A_341 = tpu.memref_slice %arg6[%dma_wait3A_339, %dma_wait3A_340] : memref<8x3200xf32, #tpu.memory_space<vmem>> -> memref<1x3200xf32, #tpu.memory_space<vmem>>
      %dma_wait3A_342 = tpu.memref_squeeze %dma_wait3A_341 : memref<1x3200xf32, #tpu.memory_space<vmem>> -> memref<3200xf32, #tpu.memory_space<vmem>>
      %dma_wait3A_343 = arith.constant 0 : i32
      %dma_wait3A_344 = tpu.memref_slice %arg2[%dma_wait3A_338, %dma_wait3A_343] : memref<7x1600000xf32, #tpu.memory_space<hbm>> -> memref<1x3200xf32, #tpu.memory_space<hbm>>
      %dma_wait3A_345 = tpu.memref_squeeze %dma_wait3A_344 : memref<1x3200xf32, #tpu.memory_space<hbm>> -> memref<3200xf32, #tpu.memory_space<hbm>>
      %dma_wait3A_346 = arith.constant 0 : i32
      %dma_wait3A_347 = tpu.memref_slice %arg6[%dma_wait3A_339, %dma_wait3A_346] : memref<8x3200xf32, #tpu.memory_space<vmem>> -> memref<1x3200xf32, #tpu.memory_space<vmem>>
      %dma_wait3A_348 = tpu.memref_squeeze %dma_wait3A_347 : memref<1x3200xf32, #tpu.memory_space<vmem>> -> memref<3200xf32, #tpu.memory_space<vmem>>
      %dma_wait3A_349 = arith.constant 0 : i32
      %dma_wait3A_350 = tpu.memref_slice %arg2[%dma_wait3A_338, %dma_wait3A_349] : memref<7x1600000xf32, #tpu.memory_space<hbm>> -> memref<1x3200xf32, #tpu.memory_space<hbm>>
      %dma_wait3A_351 = tpu.memref_squeeze %dma_wait3A_350 : memref<1x3200xf32, #tpu.memory_space<hbm>> -> memref<3200xf32, #tpu.memory_space<hbm>>
      tpu.wait_dma2 semaphore(%arg12 : memref<!tpu.dma_semaphore, #tpu.memory_space<semaphore_mem>>) src(%dma_wait3A_351 : memref<3200xf32, #tpu.memory_space<hbm>>) dst(%dma_wait3A_348 : memref<3200xf32, #tpu.memory_space<vmem>>)
      %dma_wait3A_352 = arith.constant 0 : i32
      %dma_wait3A_353 = arith.constant 5 : i32
      %dma_wait3A_354 = arith.constant 0 : i32
      %dma_wait3A_355 = tpu.memref_slice %arg6[%dma_wait3A_353, %dma_wait3A_354] : memref<8x3200xf32, #tpu.memory_space<vmem>> -> memref<1x3200xf32, #tpu.memory_space<vmem>>
      %dma_wait3A_356 = tpu.memref_squeeze %dma_wait3A_355 : memref<1x3200xf32, #tpu.memory_space<vmem>> -> memref<3200xf32, #tpu.memory_space<vmem>>
      %dma_wait3A_357 = arith.constant 0 : i32
      %dma_wait3A_358 = tpu.memref_slice %arg2[%dma_wait3A_352, %dma_wait3A_357] : memref<7x1600000xf32, #tpu.memory_space<hbm>> -> memref<1x3200xf32, #tpu.memory_space<hbm>>
      %dma_wait3A_359 = tpu.memref_squeeze %dma_wait3A_358 : memref<1x3200xf32, #tpu.memory_space<hbm>> -> memref<3200xf32, #tpu.memory_space<hbm>>
      %dma_wait3A_360 = arith.constant 0 : i32
      %dma_wait3A_361 = tpu.memref_slice %arg6[%dma_wait3A_353, %dma_wait3A_360] : memref<8x3200xf32, #tpu.memory_space<vmem>> -> memref<1x3200xf32, #tpu.memory_space<vmem>>
      %dma_wait3A_362 = tpu.memref_squeeze %dma_wait3A_361 : memref<1x3200xf32, #tpu.memory_space<vmem>> -> memref<3200xf32, #tpu.memory_space<vmem>>
      %dma_wait3A_363 = arith.constant 0 : i32
      %dma_wait3A_364 = tpu.memref_slice %arg2[%dma_wait3A_352, %dma_wait3A_363] : memref<7x1600000xf32, #tpu.memory_space<hbm>> -> memref<1x3200xf32, #tpu.memory_space<hbm>>
      %dma_wait3A_365 = tpu.memref_squeeze %dma_wait3A_364 : memref<1x3200xf32, #tpu.memory_space<hbm>> -> memref<3200xf32, #tpu.memory_space<hbm>>
      tpu.wait_dma2 semaphore(%arg12 : memref<!tpu.dma_semaphore, #tpu.memory_space<semaphore_mem>>) src(%dma_wait3A_365 : memref<3200xf32, #tpu.memory_space<hbm>>) dst(%dma_wait3A_362 : memref<3200xf32, #tpu.memory_space<vmem>>)
      %dma_wait3A_366 = arith.constant 0 : i32
      %dma_wait3A_367 = arith.constant 6 : i32
      %dma_wait3A_368 = arith.constant 0 : i32
      %dma_wait3A_369 = tpu.memref_slice %arg6[%dma_wait3A_367, %dma_wait3A_368] : memref<8x3200xf32, #tpu.memory_space<vmem>> -> memref<1x3200xf32, #tpu.memory_space<vmem>>
      %dma_wait3A_370 = tpu.memref_squeeze %dma_wait3A_369 : memref<1x3200xf32, #tpu.memory_space<vmem>> -> memref<3200xf32, #tpu.memory_space<vmem>>
      %dma_wait3A_371 = arith.constant 0 : i32
      %dma_wait3A_372 = tpu.memref_slice %arg2[%dma_wait3A_366, %dma_wait3A_371] : memref<7x1600000xf32, #tpu.memory_space<hbm>> -> memref<1x3200xf32, #tpu.memory_space<hbm>>
      %dma_wait3A_373 = tpu.memref_squeeze %dma_wait3A_372 : memref<1x3200xf32, #tpu.memory_space<hbm>> -> memref<3200xf32, #tpu.memory_space<hbm>>
      %dma_wait3A_374 = arith.constant 0 : i32
      %dma_wait3A_375 = tpu.memref_slice %arg6[%dma_wait3A_367, %dma_wait3A_374] : memref<8x3200xf32, #tpu.memory_space<vmem>> -> memref<1x3200xf32, #tpu.memory_space<vmem>>
      %dma_wait3A_376 = tpu.memref_squeeze %dma_wait3A_375 : memref<1x3200xf32, #tpu.memory_space<vmem>> -> memref<3200xf32, #tpu.memory_space<vmem>>
      %dma_wait3A_377 = arith.constant 0 : i32
      %dma_wait3A_378 = tpu.memref_slice %arg2[%dma_wait3A_366, %dma_wait3A_377] : memref<7x1600000xf32, #tpu.memory_space<hbm>> -> memref<1x3200xf32, #tpu.memory_space<hbm>>
      %dma_wait3A_379 = tpu.memref_squeeze %dma_wait3A_378 : memref<1x3200xf32, #tpu.memory_space<hbm>> -> memref<3200xf32, #tpu.memory_space<hbm>>
      tpu.wait_dma2 semaphore(%arg12 : memref<!tpu.dma_semaphore, #tpu.memory_space<semaphore_mem>>) src(%dma_wait3A_379 : memref<3200xf32, #tpu.memory_space<hbm>>) dst(%dma_wait3A_376 : memref<3200xf32, #tpu.memory_space<vmem>>)
      %dma_wait3A_380 = arith.constant 0 : i32
      %dma_wait3A_381 = arith.constant 0 : i32
      %dma_wait3A_382 = arith.constant 0 : i32
      %dma_wait3A_383 = tpu.memref_slice %arg8[%dma_wait3A_381, %dma_wait3A_382] : memref<8x3200xf32, #tpu.memory_space<vmem>> -> memref<1x3200xf32, #tpu.memory_space<vmem>>
      %dma_wait3A_384 = tpu.memref_squeeze %dma_wait3A_383 : memref<1x3200xf32, #tpu.memory_space<vmem>> -> memref<3200xf32, #tpu.memory_space<vmem>>
      %dma_wait3A_385 = arith.constant 0 : i32
      %dma_wait3A_386 = tpu.memref_slice %arg3[%dma_wait3A_380, %dma_wait3A_385] : memref<6x1600000xf32, #tpu.memory_space<hbm>> -> memref<1x3200xf32, #tpu.memory_space<hbm>>
      %dma_wait3A_387 = tpu.memref_squeeze %dma_wait3A_386 : memref<1x3200xf32, #tpu.memory_space<hbm>> -> memref<3200xf32, #tpu.memory_space<hbm>>
      %dma_wait3A_388 = arith.constant 0 : i32
      %dma_wait3A_389 = tpu.memref_slice %arg8[%dma_wait3A_381, %dma_wait3A_388] : memref<8x3200xf32, #tpu.memory_space<vmem>> -> memref<1x3200xf32, #tpu.memory_space<vmem>>
      %dma_wait3A_390 = tpu.memref_squeeze %dma_wait3A_389 : memref<1x3200xf32, #tpu.memory_space<vmem>> -> memref<3200xf32, #tpu.memory_space<vmem>>
      %dma_wait3A_391 = arith.constant 0 : i32
      %dma_wait3A_392 = tpu.memref_slice %arg3[%dma_wait3A_380, %dma_wait3A_391] : memref<6x1600000xf32, #tpu.memory_space<hbm>> -> memref<1x3200xf32, #tpu.memory_space<hbm>>
      %dma_wait3A_393 = tpu.memref_squeeze %dma_wait3A_392 : memref<1x3200xf32, #tpu.memory_space<hbm>> -> memref<3200xf32, #tpu.memory_space<hbm>>
      tpu.wait_dma2 semaphore(%arg12 : memref<!tpu.dma_semaphore, #tpu.memory_space<semaphore_mem>>) src(%dma_wait3A_393 : memref<3200xf32, #tpu.memory_space<hbm>>) dst(%dma_wait3A_390 : memref<3200xf32, #tpu.memory_space<vmem>>)
      %dma_wait3A_394 = arith.constant 0 : i32
      %dma_wait3A_395 = arith.constant 1 : i32
      %dma_wait3A_396 = arith.constant 0 : i32
      %dma_wait3A_397 = tpu.memref_slice %arg8[%dma_wait3A_395, %dma_wait3A_396] : memref<8x3200xf32, #tpu.memory_space<vmem>> -> memref<1x3200xf32, #tpu.memory_space<vmem>>
      %dma_wait3A_398 = tpu.memref_squeeze %dma_wait3A_397 : memref<1x3200xf32, #tpu.memory_space<vmem>> -> memref<3200xf32, #tpu.memory_space<vmem>>
      %dma_wait3A_399 = arith.constant 0 : i32
      %dma_wait3A_400 = tpu.memref_slice %arg3[%dma_wait3A_394, %dma_wait3A_399] : memref<6x1600000xf32, #tpu.memory_space<hbm>> -> memref<1x3200xf32, #tpu.memory_space<hbm>>
      %dma_wait3A_401 = tpu.memref_squeeze %dma_wait3A_400 : memref<1x3200xf32, #tpu.memory_space<hbm>> -> memref<3200xf32, #tpu.memory_space<hbm>>
      %dma_wait3A_402 = arith.constant 0 : i32
      %dma_wait3A_403 = tpu.memref_slice %arg8[%dma_wait3A_395, %dma_wait3A_402] : memref<8x3200xf32, #tpu.memory_space<vmem>> -> memref<1x3200xf32, #tpu.memory_space<vmem>>
      %dma_wait3A_404 = tpu.memref_squeeze %dma_wait3A_403 : memref<1x3200xf32, #tpu.memory_space<vmem>> -> memref<3200xf32, #tpu.memory_space<vmem>>
      %dma_wait3A_405 = arith.constant 0 : i32
      %dma_wait3A_406 = tpu.memref_slice %arg3[%dma_wait3A_394, %dma_wait3A_405] : memref<6x1600000xf32, #tpu.memory_space<hbm>> -> memref<1x3200xf32, #tpu.memory_space<hbm>>
      %dma_wait3A_407 = tpu.memref_squeeze %dma_wait3A_406 : memref<1x3200xf32, #tpu.memory_space<hbm>> -> memref<3200xf32, #tpu.memory_space<hbm>>
      tpu.wait_dma2 semaphore(%arg12 : memref<!tpu.dma_semaphore, #tpu.memory_space<semaphore_mem>>) src(%dma_wait3A_407 : memref<3200xf32, #tpu.memory_space<hbm>>) dst(%dma_wait3A_404 : memref<3200xf32, #tpu.memory_space<vmem>>)
      %dma_wait3A_408 = arith.constant 0 : i32
      %dma_wait3A_409 = arith.constant 2 : i32
      %dma_wait3A_410 = arith.constant 0 : i32
      %dma_wait3A_411 = tpu.memref_slice %arg8[%dma_wait3A_409, %dma_wait3A_410] : memref<8x3200xf32, #tpu.memory_space<vmem>> -> memref<1x3200xf32, #tpu.memory_space<vmem>>
      %dma_wait3A_412 = tpu.memref_squeeze %dma_wait3A_411 : memref<1x3200xf32, #tpu.memory_space<vmem>> -> memref<3200xf32, #tpu.memory_space<vmem>>
      %dma_wait3A_413 = arith.constant 0 : i32
      %dma_wait3A_414 = tpu.memref_slice %arg3[%dma_wait3A_408, %dma_wait3A_413] : memref<6x1600000xf32, #tpu.memory_space<hbm>> -> memref<1x3200xf32, #tpu.memory_space<hbm>>
      %dma_wait3A_415 = tpu.memref_squeeze %dma_wait3A_414 : memref<1x3200xf32, #tpu.memory_space<hbm>> -> memref<3200xf32, #tpu.memory_space<hbm>>
      %dma_wait3A_416 = arith.constant 0 : i32
      %dma_wait3A_417 = tpu.memref_slice %arg8[%dma_wait3A_409, %dma_wait3A_416] : memref<8x3200xf32, #tpu.memory_space<vmem>> -> memref<1x3200xf32, #tpu.memory_space<vmem>>
      %dma_wait3A_418 = tpu.memref_squeeze %dma_wait3A_417 : memref<1x3200xf32, #tpu.memory_space<vmem>> -> memref<3200xf32, #tpu.memory_space<vmem>>
      %dma_wait3A_419 = arith.constant 0 : i32
      %dma_wait3A_420 = tpu.memref_slice %arg3[%dma_wait3A_408, %dma_wait3A_419] : memref<6x1600000xf32, #tpu.memory_space<hbm>> -> memref<1x3200xf32, #tpu.memory_space<hbm>>
      %dma_wait3A_421 = tpu.memref_squeeze %dma_wait3A_420 : memref<1x3200xf32, #tpu.memory_space<hbm>> -> memref<3200xf32, #tpu.memory_space<hbm>>
      tpu.wait_dma2 semaphore(%arg12 : memref<!tpu.dma_semaphore, #tpu.memory_space<semaphore_mem>>) src(%dma_wait3A_421 : memref<3200xf32, #tpu.memory_space<hbm>>) dst(%dma_wait3A_418 : memref<3200xf32, #tpu.memory_space<vmem>>)
      %dma_wait3A_422 = arith.constant 0 : i32
      %dma_wait3A_423 = arith.constant 3 : i32
      %dma_wait3A_424 = arith.constant 0 : i32
      %dma_wait3A_425 = tpu.memref_slice %arg8[%dma_wait3A_423, %dma_wait3A_424] : memref<8x3200xf32, #tpu.memory_space<vmem>> -> memref<1x3200xf32, #tpu.memory_space<vmem>>
      %dma_wait3A_426 = tpu.memref_squeeze %dma_wait3A_425 : memref<1x3200xf32, #tpu.memory_space<vmem>> -> memref<3200xf32, #tpu.memory_space<vmem>>
      %dma_wait3A_427 = arith.constant 0 : i32
      %dma_wait3A_428 = tpu.memref_slice %arg3[%dma_wait3A_422, %dma_wait3A_427] : memref<6x1600000xf32, #tpu.memory_space<hbm>> -> memref<1x3200xf32, #tpu.memory_space<hbm>>
      %dma_wait3A_429 = tpu.memref_squeeze %dma_wait3A_428 : memref<1x3200xf32, #tpu.memory_space<hbm>> -> memref<3200xf32, #tpu.memory_space<hbm>>
      %dma_wait3A_430 = arith.constant 0 : i32
      %dma_wait3A_431 = tpu.memref_slice %arg8[%dma_wait3A_423, %dma_wait3A_430] : memref<8x3200xf32, #tpu.memory_space<vmem>> -> memref<1x3200xf32, #tpu.memory_space<vmem>>
      %dma_wait3A_432 = tpu.memref_squeeze %dma_wait3A_431 : memref<1x3200xf32, #tpu.memory_space<vmem>> -> memref<3200xf32, #tpu.memory_space<vmem>>
      %dma_wait3A_433 = arith.constant 0 : i32
      %dma_wait3A_434 = tpu.memref_slice %arg3[%dma_wait3A_422, %dma_wait3A_433] : memref<6x1600000xf32, #tpu.memory_space<hbm>> -> memref<1x3200xf32, #tpu.memory_space<hbm>>
      %dma_wait3A_435 = tpu.memref_squeeze %dma_wait3A_434 : memref<1x3200xf32, #tpu.memory_space<hbm>> -> memref<3200xf32, #tpu.memory_space<hbm>>
      tpu.wait_dma2 semaphore(%arg12 : memref<!tpu.dma_semaphore, #tpu.memory_space<semaphore_mem>>) src(%dma_wait3A_435 : memref<3200xf32, #tpu.memory_space<hbm>>) dst(%dma_wait3A_432 : memref<3200xf32, #tpu.memory_space<vmem>>)
      %dma_wait3A_436 = arith.constant 0 : i32
      %dma_wait3A_437 = arith.constant 4 : i32
      %dma_wait3A_438 = arith.constant 0 : i32
      %dma_wait3A_439 = tpu.memref_slice %arg8[%dma_wait3A_437, %dma_wait3A_438] : memref<8x3200xf32, #tpu.memory_space<vmem>> -> memref<1x3200xf32, #tpu.memory_space<vmem>>
      %dma_wait3A_440 = tpu.memref_squeeze %dma_wait3A_439 : memref<1x3200xf32, #tpu.memory_space<vmem>> -> memref<3200xf32, #tpu.memory_space<vmem>>
      %dma_wait3A_441 = arith.constant 0 : i32
      %dma_wait3A_442 = tpu.memref_slice %arg3[%dma_wait3A_436, %dma_wait3A_441] : memref<6x1600000xf32, #tpu.memory_space<hbm>> -> memref<1x3200xf32, #tpu.memory_space<hbm>>
      %dma_wait3A_443 = tpu.memref_squeeze %dma_wait3A_442 : memref<1x3200xf32, #tpu.memory_space<hbm>> -> memref<3200xf32, #tpu.memory_space<hbm>>
      %dma_wait3A_444 = arith.constant 0 : i32
      %dma_wait3A_445 = tpu.memref_slice %arg8[%dma_wait3A_437, %dma_wait3A_444] : memref<8x3200xf32, #tpu.memory_space<vmem>> -> memref<1x3200xf32, #tpu.memory_space<vmem>>
      %dma_wait3A_446 = tpu.memref_squeeze %dma_wait3A_445 : memref<1x3200xf32, #tpu.memory_space<vmem>> -> memref<3200xf32, #tpu.memory_space<vmem>>
      %dma_wait3A_447 = arith.constant 0 : i32
      %dma_wait3A_448 = tpu.memref_slice %arg3[%dma_wait3A_436, %dma_wait3A_447] : memref<6x1600000xf32, #tpu.memory_space<hbm>> -> memref<1x3200xf32, #tpu.memory_space<hbm>>
      %dma_wait3A_449 = tpu.memref_squeeze %dma_wait3A_448 : memref<1x3200xf32, #tpu.memory_space<hbm>> -> memref<3200xf32, #tpu.memory_space<hbm>>
      tpu.wait_dma2 semaphore(%arg12 : memref<!tpu.dma_semaphore, #tpu.memory_space<semaphore_mem>>) src(%dma_wait3A_449 : memref<3200xf32, #tpu.memory_space<hbm>>) dst(%dma_wait3A_446 : memref<3200xf32, #tpu.memory_space<vmem>>)
      %dma_wait3A_450 = arith.constant 0 : i32
      %dma_wait3A_451 = arith.constant 5 : i32
      %dma_wait3A_452 = arith.constant 0 : i32
      %dma_wait3A_453 = tpu.memref_slice %arg8[%dma_wait3A_451, %dma_wait3A_452] : memref<8x3200xf32, #tpu.memory_space<vmem>> -> memref<1x3200xf32, #tpu.memory_space<vmem>>
      %dma_wait3A_454 = tpu.memref_squeeze %dma_wait3A_453 : memref<1x3200xf32, #tpu.memory_space<vmem>> -> memref<3200xf32, #tpu.memory_space<vmem>>
      %dma_wait3A_455 = arith.constant 0 : i32
      %dma_wait3A_456 = tpu.memref_slice %arg3[%dma_wait3A_450, %dma_wait3A_455] : memref<6x1600000xf32, #tpu.memory_space<hbm>> -> memref<1x3200xf32, #tpu.memory_space<hbm>>
      %dma_wait3A_457 = tpu.memref_squeeze %dma_wait3A_456 : memref<1x3200xf32, #tpu.memory_space<hbm>> -> memref<3200xf32, #tpu.memory_space<hbm>>
      %dma_wait3A_458 = arith.constant 0 : i32
      %dma_wait3A_459 = tpu.memref_slice %arg8[%dma_wait3A_451, %dma_wait3A_458] : memref<8x3200xf32, #tpu.memory_space<vmem>> -> memref<1x3200xf32, #tpu.memory_space<vmem>>
      %dma_wait3A_460 = tpu.memref_squeeze %dma_wait3A_459 : memref<1x3200xf32, #tpu.memory_space<vmem>> -> memref<3200xf32, #tpu.memory_space<vmem>>
      %dma_wait3A_461 = arith.constant 0 : i32
      %dma_wait3A_462 = tpu.memref_slice %arg3[%dma_wait3A_450, %dma_wait3A_461] : memref<6x1600000xf32, #tpu.memory_space<hbm>> -> memref<1x3200xf32, #tpu.memory_space<hbm>>
      %dma_wait3A_463 = tpu.memref_squeeze %dma_wait3A_462 : memref<1x3200xf32, #tpu.memory_space<hbm>> -> memref<3200xf32, #tpu.memory_space<hbm>>
      tpu.wait_dma2 semaphore(%arg12 : memref<!tpu.dma_semaphore, #tpu.memory_space<semaphore_mem>>) src(%dma_wait3A_463 : memref<3200xf32, #tpu.memory_space<hbm>>) dst(%dma_wait3A_460 : memref<3200xf32, #tpu.memory_space<vmem>>)
      %add3A_464 = arith.constant 2 : i32
      %add3A_465 = arith.addi %add3A_107, %add3A_464 : i32
      %mul3A_466 = arith.constant 32 : i32
      %mul3A_467 = arith.muli %add3A_465, %mul3A_466 : i32
      %add3A_468 = arith.addi %add3A, %mul3A_467 : i32
      %min3A_469 = arith.constant 499 : i32
      %min3A_470 = arith.minsi %add3A_468, %min3A_469 : i32
      %mul3A_471 = arith.constant 3200 : i32
      %mul3A_472 = arith.muli %min3A_470, %mul3A_471 : i32
      %dma_start3A_473 = arith.constant 0 : i32
      %dma_start3A_474 = arith.constant 0 : i32
      %dma_start3A_475 = tpu.memref_slice %arg6[%dma_start3A_473, %dma_start3A_474] : memref<8x3200xf32, #tpu.memory_space<vmem>> -> memref<7x3200xf32, #tpu.memory_space<vmem>>
      %dma_start3A_476 = arith.constant 0 : i32
      %dma_start3A_477 = tpu.memref_slice %arg2[%dma_start3A_476, %mul3A_472] : memref<7x1600000xf32, #tpu.memory_space<hbm>> -> memref<7x3200xf32, #tpu.memory_space<hbm>>
      %dma_start3A_478 = arith.constant 0 : i32
      %dma_start3A_479 = arith.constant 0 : i32
      %dma_start3A_480 = tpu.memref_slice %arg6[%dma_start3A_478, %dma_start3A_479] : memref<8x3200xf32, #tpu.memory_space<vmem>> -> memref<7x3200xf32, #tpu.memory_space<vmem>>
      %dma_start3A_481 = arith.constant 0 : i32
      %dma_start3A_482 = tpu.memref_slice %arg2[%dma_start3A_481, %mul3A_472] : memref<7x1600000xf32, #tpu.memory_space<hbm>> -> memref<7x3200xf32, #tpu.memory_space<hbm>>
      tpu.enqueue_dma source(%dma_start3A_482 : memref<7x3200xf32, #tpu.memory_space<hbm>>) target(%dma_start3A_480 : memref<7x3200xf32, #tpu.memory_space<vmem>>) target_semaphore(%arg10 : memref<!tpu.dma_semaphore, #tpu.memory_space<semaphore_mem>>)
      %dma_start3A_483 = arith.constant 0 : i32
      %dma_start3A_484 = arith.constant 0 : i32
      %dma_start3A_485 = tpu.memref_slice %arg8[%dma_start3A_483, %dma_start3A_484] : memref<8x3200xf32, #tpu.memory_space<vmem>> -> memref<6x3200xf32, #tpu.memory_space<vmem>>
      %dma_start3A_486 = arith.constant 0 : i32
      %dma_start3A_487 = tpu.memref_slice %arg3[%dma_start3A_486, %mul3A_472] : memref<6x1600000xf32, #tpu.memory_space<hbm>> -> memref<6x3200xf32, #tpu.memory_space<hbm>>
      %dma_start3A_488 = arith.constant 0 : i32
      %dma_start3A_489 = arith.constant 0 : i32
      %dma_start3A_490 = tpu.memref_slice %arg8[%dma_start3A_488, %dma_start3A_489] : memref<8x3200xf32, #tpu.memory_space<vmem>> -> memref<6x3200xf32, #tpu.memory_space<vmem>>
      %dma_start3A_491 = arith.constant 0 : i32
      %dma_start3A_492 = tpu.memref_slice %arg3[%dma_start3A_491, %mul3A_472] : memref<6x1600000xf32, #tpu.memory_space<hbm>> -> memref<6x3200xf32, #tpu.memory_space<hbm>>
      tpu.enqueue_dma source(%dma_start3A_492 : memref<6x3200xf32, #tpu.memory_space<hbm>>) target(%dma_start3A_490 : memref<6x3200xf32, #tpu.memory_space<vmem>>) target_semaphore(%arg10 : memref<!tpu.dma_semaphore, #tpu.memory_space<semaphore_mem>>)
      %mul3A_493 = arith.constant 2 : i32
      %mul3A_494 = arith.muli %mul3A_493, %scan3A_103 : i32
      %add3A_495 = arith.constant 1 : i32
      %add3A_496 = arith.addi %mul3A_494, %add3A_495 : i32
      %dma_wait3A_497 = arith.constant 0 : i32
      %dma_wait3A_498 = arith.constant 0 : i32
      %dma_wait3A_499 = tpu.memref_slice %arg7[%dma_wait3A_497, %dma_wait3A_498] : memref<8x3200xf32, #tpu.memory_space<vmem>> -> memref<7x3200xf32, #tpu.memory_space<vmem>>
      %dma_wait3A_500 = arith.constant 0 : i32
      %dma_wait3A_501 = arith.constant 0 : i32
      %dma_wait3A_502 = tpu.memref_slice %arg2[%dma_wait3A_500, %dma_wait3A_501] : memref<7x1600000xf32, #tpu.memory_space<hbm>> -> memref<7x3200xf32, #tpu.memory_space<hbm>>
      %dma_wait3A_503 = arith.constant 0 : i32
      %dma_wait3A_504 = arith.constant 0 : i32
      %dma_wait3A_505 = tpu.memref_slice %arg7[%dma_wait3A_503, %dma_wait3A_504] : memref<8x3200xf32, #tpu.memory_space<vmem>> -> memref<7x3200xf32, #tpu.memory_space<vmem>>
      %dma_wait3A_506 = arith.constant 0 : i32
      %dma_wait3A_507 = arith.constant 0 : i32
      %dma_wait3A_508 = tpu.memref_slice %arg2[%dma_wait3A_506, %dma_wait3A_507] : memref<7x1600000xf32, #tpu.memory_space<hbm>> -> memref<7x3200xf32, #tpu.memory_space<hbm>>
      tpu.wait_dma2 semaphore(%arg11 : memref<!tpu.dma_semaphore, #tpu.memory_space<semaphore_mem>>) src(%dma_wait3A_508 : memref<7x3200xf32, #tpu.memory_space<hbm>>) dst(%dma_wait3A_505 : memref<7x3200xf32, #tpu.memory_space<vmem>>)
      %dma_wait3A_509 = arith.constant 0 : i32
      %dma_wait3A_510 = arith.constant 0 : i32
      %dma_wait3A_511 = tpu.memref_slice %arg9[%dma_wait3A_509, %dma_wait3A_510] : memref<8x3200xf32, #tpu.memory_space<vmem>> -> memref<6x3200xf32, #tpu.memory_space<vmem>>
      %dma_wait3A_512 = arith.constant 0 : i32
      %dma_wait3A_513 = arith.constant 0 : i32
      %dma_wait3A_514 = tpu.memref_slice %arg3[%dma_wait3A_512, %dma_wait3A_513] : memref<6x1600000xf32, #tpu.memory_space<hbm>> -> memref<6x3200xf32, #tpu.memory_space<hbm>>
      %dma_wait3A_515 = arith.constant 0 : i32
      %dma_wait3A_516 = arith.constant 0 : i32
      %dma_wait3A_517 = tpu.memref_slice %arg9[%dma_wait3A_515, %dma_wait3A_516] : memref<8x3200xf32, #tpu.memory_space<vmem>> -> memref<6x3200xf32, #tpu.memory_space<vmem>>
      %dma_wait3A_518 = arith.constant 0 : i32
      %dma_wait3A_519 = arith.constant 0 : i32
      %dma_wait3A_520 = tpu.memref_slice %arg3[%dma_wait3A_518, %dma_wait3A_519] : memref<6x1600000xf32, #tpu.memory_space<hbm>> -> memref<6x3200xf32, #tpu.memory_space<hbm>>
      tpu.wait_dma2 semaphore(%arg11 : memref<!tpu.dma_semaphore, #tpu.memory_space<semaphore_mem>>) src(%dma_wait3A_520 : memref<6x3200xf32, #tpu.memory_space<hbm>>) dst(%dma_wait3A_517 : memref<6x3200xf32, #tpu.memory_space<vmem>>)
      %mul3A_521 = arith.constant 32 : i32
      %mul3A_522 = arith.muli %add3A_496, %mul3A_521 : i32
      %add3A_523 = arith.addi %add3A, %mul3A_522 : i32
      %min3A_524 = arith.constant 499 : i32
      %min3A_525 = arith.minsi %add3A_523, %min3A_524 : i32
      %mul3A_526 = arith.constant 3200 : i32
      %mul3A_527 = arith.muli %min3A_525, %mul3A_526 : i32
      %add3A_528 = arith.constant 0 : i32
      %add3A_529 = arith.addi %add3A_528, %mul3A_527 : i32
      %dma_start3A_530 = arith.constant 0 : i32
      %dma_start3A_531 = arith.constant 0 : i32
      %dma_start3A_532 = tpu.memref_slice %arg7[%dma_start3A_530, %dma_start3A_531] : memref<8x3200xf32, #tpu.memory_space<vmem>> -> memref<1x3200xf32, #tpu.memory_space<vmem>>
      %dma_start3A_533 = tpu.memref_squeeze %dma_start3A_532 : memref<1x3200xf32, #tpu.memory_space<vmem>> -> memref<3200xf32, #tpu.memory_space<vmem>>
      %dma_start3A_534 = tpu.memref_slice %arg4[%add3A_529] : memref<11200000xf32, #tpu.memory_space<hbm>> -> memref<3200xf32, #tpu.memory_space<hbm>>
      %dma_start3A_535 = tpu.memref_slice %arg4[%add3A_529] : memref<11200000xf32, #tpu.memory_space<hbm>> -> memref<3200xf32, #tpu.memory_space<hbm>>
      %dma_start3A_536 = arith.constant 0 : i32
      %dma_start3A_537 = tpu.memref_slice %arg7[%dma_start3A_530, %dma_start3A_536] : memref<8x3200xf32, #tpu.memory_space<vmem>> -> memref<1x3200xf32, #tpu.memory_space<vmem>>
      %dma_start3A_538 = tpu.memref_squeeze %dma_start3A_537 : memref<1x3200xf32, #tpu.memory_space<vmem>> -> memref<3200xf32, #tpu.memory_space<vmem>>
      tpu.enqueue_dma source(%dma_start3A_538 : memref<3200xf32, #tpu.memory_space<vmem>>) target(%dma_start3A_535 : memref<3200xf32, #tpu.memory_space<hbm>>) target_semaphore(%arg13 : memref<!tpu.dma_semaphore, #tpu.memory_space<semaphore_mem>>)
      %add3A_539 = arith.constant 1600000 : i32
      %add3A_540 = arith.addi %add3A_539, %mul3A_527 : i32
      %dma_start3A_541 = arith.constant 1 : i32
      %dma_start3A_542 = arith.constant 0 : i32
      %dma_start3A_543 = tpu.memref_slice %arg7[%dma_start3A_541, %dma_start3A_542] : memref<8x3200xf32, #tpu.memory_space<vmem>> -> memref<1x3200xf32, #tpu.memory_space<vmem>>
      %dma_start3A_544 = tpu.memref_squeeze %dma_start3A_543 : memref<1x3200xf32, #tpu.memory_space<vmem>> -> memref<3200xf32, #tpu.memory_space<vmem>>
      %dma_start3A_545 = tpu.memref_slice %arg4[%add3A_540] : memref<11200000xf32, #tpu.memory_space<hbm>> -> memref<3200xf32, #tpu.memory_space<hbm>>
      %dma_start3A_546 = tpu.memref_slice %arg4[%add3A_540] : memref<11200000xf32, #tpu.memory_space<hbm>> -> memref<3200xf32, #tpu.memory_space<hbm>>
      %dma_start3A_547 = arith.constant 0 : i32
      %dma_start3A_548 = tpu.memref_slice %arg7[%dma_start3A_541, %dma_start3A_547] : memref<8x3200xf32, #tpu.memory_space<vmem>> -> memref<1x3200xf32, #tpu.memory_space<vmem>>
      %dma_start3A_549 = tpu.memref_squeeze %dma_start3A_548 : memref<1x3200xf32, #tpu.memory_space<vmem>> -> memref<3200xf32, #tpu.memory_space<vmem>>
      tpu.enqueue_dma source(%dma_start3A_549 : memref<3200xf32, #tpu.memory_space<vmem>>) target(%dma_start3A_546 : memref<3200xf32, #tpu.memory_space<hbm>>) target_semaphore(%arg13 : memref<!tpu.dma_semaphore, #tpu.memory_space<semaphore_mem>>)
      %add3A_550 = arith.constant 3200000 : i32
      %add3A_551 = arith.addi %add3A_550, %mul3A_527 : i32
      %dma_start3A_552 = arith.constant 2 : i32
      %dma_start3A_553 = arith.constant 0 : i32
      %dma_start3A_554 = tpu.memref_slice %arg7[%dma_start3A_552, %dma_start3A_553] : memref<8x3200xf32, #tpu.memory_space<vmem>> -> memref<1x3200xf32, #tpu.memory_space<vmem>>
      %dma_start3A_555 = tpu.memref_squeeze %dma_start3A_554 : memref<1x3200xf32, #tpu.memory_space<vmem>> -> memref<3200xf32, #tpu.memory_space<vmem>>
      %dma_start3A_556 = tpu.memref_slice %arg4[%add3A_551] : memref<11200000xf32, #tpu.memory_space<hbm>> -> memref<3200xf32, #tpu.memory_space<hbm>>
      %dma_start3A_557 = tpu.memref_slice %arg4[%add3A_551] : memref<11200000xf32, #tpu.memory_space<hbm>> -> memref<3200xf32, #tpu.memory_space<hbm>>
      %dma_start3A_558 = arith.constant 0 : i32
      %dma_start3A_559 = tpu.memref_slice %arg7[%dma_start3A_552, %dma_start3A_558] : memref<8x3200xf32, #tpu.memory_space<vmem>> -> memref<1x3200xf32, #tpu.memory_space<vmem>>
      %dma_start3A_560 = tpu.memref_squeeze %dma_start3A_559 : memref<1x3200xf32, #tpu.memory_space<vmem>> -> memref<3200xf32, #tpu.memory_space<vmem>>
      tpu.enqueue_dma source(%dma_start3A_560 : memref<3200xf32, #tpu.memory_space<vmem>>) target(%dma_start3A_557 : memref<3200xf32, #tpu.memory_space<hbm>>) target_semaphore(%arg13 : memref<!tpu.dma_semaphore, #tpu.memory_space<semaphore_mem>>)
      %add3A_561 = arith.constant 4800000 : i32
      %add3A_562 = arith.addi %add3A_561, %mul3A_527 : i32
      %dma_start3A_563 = arith.constant 3 : i32
      %dma_start3A_564 = arith.constant 0 : i32
      %dma_start3A_565 = tpu.memref_slice %arg7[%dma_start3A_563, %dma_start3A_564] : memref<8x3200xf32, #tpu.memory_space<vmem>> -> memref<1x3200xf32, #tpu.memory_space<vmem>>
      %dma_start3A_566 = tpu.memref_squeeze %dma_start3A_565 : memref<1x3200xf32, #tpu.memory_space<vmem>> -> memref<3200xf32, #tpu.memory_space<vmem>>
      %dma_start3A_567 = tpu.memref_slice %arg4[%add3A_562] : memref<11200000xf32, #tpu.memory_space<hbm>> -> memref<3200xf32, #tpu.memory_space<hbm>>
      %dma_start3A_568 = tpu.memref_slice %arg4[%add3A_562] : memref<11200000xf32, #tpu.memory_space<hbm>> -> memref<3200xf32, #tpu.memory_space<hbm>>
      %dma_start3A_569 = arith.constant 0 : i32
      %dma_start3A_570 = tpu.memref_slice %arg7[%dma_start3A_563, %dma_start3A_569] : memref<8x3200xf32, #tpu.memory_space<vmem>> -> memref<1x3200xf32, #tpu.memory_space<vmem>>
      %dma_start3A_571 = tpu.memref_squeeze %dma_start3A_570 : memref<1x3200xf32, #tpu.memory_space<vmem>> -> memref<3200xf32, #tpu.memory_space<vmem>>
      tpu.enqueue_dma source(%dma_start3A_571 : memref<3200xf32, #tpu.memory_space<vmem>>) target(%dma_start3A_568 : memref<3200xf32, #tpu.memory_space<hbm>>) target_semaphore(%arg13 : memref<!tpu.dma_semaphore, #tpu.memory_space<semaphore_mem>>)
      %add3A_572 = arith.constant 6400000 : i32
      %add3A_573 = arith.addi %add3A_572, %mul3A_527 : i32
      %dma_start3A_574 = arith.constant 4 : i32
      %dma_start3A_575 = arith.constant 0 : i32
      %dma_start3A_576 = tpu.memref_slice %arg7[%dma_start3A_574, %dma_start3A_575] : memref<8x3200xf32, #tpu.memory_space<vmem>> -> memref<1x3200xf32, #tpu.memory_space<vmem>>
      %dma_start3A_577 = tpu.memref_squeeze %dma_start3A_576 : memref<1x3200xf32, #tpu.memory_space<vmem>> -> memref<3200xf32, #tpu.memory_space<vmem>>
      %dma_start3A_578 = tpu.memref_slice %arg4[%add3A_573] : memref<11200000xf32, #tpu.memory_space<hbm>> -> memref<3200xf32, #tpu.memory_space<hbm>>
      %dma_start3A_579 = tpu.memref_slice %arg4[%add3A_573] : memref<11200000xf32, #tpu.memory_space<hbm>> -> memref<3200xf32, #tpu.memory_space<hbm>>
      %dma_start3A_580 = arith.constant 0 : i32
      %dma_start3A_581 = tpu.memref_slice %arg7[%dma_start3A_574, %dma_start3A_580] : memref<8x3200xf32, #tpu.memory_space<vmem>> -> memref<1x3200xf32, #tpu.memory_space<vmem>>
      %dma_start3A_582 = tpu.memref_squeeze %dma_start3A_581 : memref<1x3200xf32, #tpu.memory_space<vmem>> -> memref<3200xf32, #tpu.memory_space<vmem>>
      tpu.enqueue_dma source(%dma_start3A_582 : memref<3200xf32, #tpu.memory_space<vmem>>) target(%dma_start3A_579 : memref<3200xf32, #tpu.memory_space<hbm>>) target_semaphore(%arg13 : memref<!tpu.dma_semaphore, #tpu.memory_space<semaphore_mem>>)
      %add3A_583 = arith.constant 8000000 : i32
      %add3A_584 = arith.addi %add3A_583, %mul3A_527 : i32
      %dma_start3A_585 = arith.constant 5 : i32
      %dma_start3A_586 = arith.constant 0 : i32
      %dma_start3A_587 = tpu.memref_slice %arg7[%dma_start3A_585, %dma_start3A_586] : memref<8x3200xf32, #tpu.memory_space<vmem>> -> memref<1x3200xf32, #tpu.memory_space<vmem>>
      %dma_start3A_588 = tpu.memref_squeeze %dma_start3A_587 : memref<1x3200xf32, #tpu.memory_space<vmem>> -> memref<3200xf32, #tpu.memory_space<vmem>>
      %dma_start3A_589 = tpu.memref_slice %arg4[%add3A_584] : memref<11200000xf32, #tpu.memory_space<hbm>> -> memref<3200xf32, #tpu.memory_space<hbm>>
      %dma_start3A_590 = tpu.memref_slice %arg4[%add3A_584] : memref<11200000xf32, #tpu.memory_space<hbm>> -> memref<3200xf32, #tpu.memory_space<hbm>>
      %dma_start3A_591 = arith.constant 0 : i32
      %dma_start3A_592 = tpu.memref_slice %arg7[%dma_start3A_585, %dma_start3A_591] : memref<8x3200xf32, #tpu.memory_space<vmem>> -> memref<1x3200xf32, #tpu.memory_space<vmem>>
      %dma_start3A_593 = tpu.memref_squeeze %dma_start3A_592 : memref<1x3200xf32, #tpu.memory_space<vmem>> -> memref<3200xf32, #tpu.memory_space<vmem>>
      tpu.enqueue_dma source(%dma_start3A_593 : memref<3200xf32, #tpu.memory_space<vmem>>) target(%dma_start3A_590 : memref<3200xf32, #tpu.memory_space<hbm>>) target_semaphore(%arg13 : memref<!tpu.dma_semaphore, #tpu.memory_space<semaphore_mem>>)
      %add3A_594 = arith.constant 9600000 : i32
      %add3A_595 = arith.addi %add3A_594, %mul3A_527 : i32
      %dma_start3A_596 = arith.constant 6 : i32
      %dma_start3A_597 = arith.constant 0 : i32
      %dma_start3A_598 = tpu.memref_slice %arg7[%dma_start3A_596, %dma_start3A_597] : memref<8x3200xf32, #tpu.memory_space<vmem>> -> memref<1x3200xf32, #tpu.memory_space<vmem>>
      %dma_start3A_599 = tpu.memref_squeeze %dma_start3A_598 : memref<1x3200xf32, #tpu.memory_space<vmem>> -> memref<3200xf32, #tpu.memory_space<vmem>>
      %dma_start3A_600 = tpu.memref_slice %arg4[%add3A_595] : memref<11200000xf32, #tpu.memory_space<hbm>> -> memref<3200xf32, #tpu.memory_space<hbm>>
      %dma_start3A_601 = tpu.memref_slice %arg4[%add3A_595] : memref<11200000xf32, #tpu.memory_space<hbm>> -> memref<3200xf32, #tpu.memory_space<hbm>>
      %dma_start3A_602 = arith.constant 0 : i32
      %dma_start3A_603 = tpu.memref_slice %arg7[%dma_start3A_596, %dma_start3A_602] : memref<8x3200xf32, #tpu.memory_space<vmem>> -> memref<1x3200xf32, #tpu.memory_space<vmem>>
      %dma_start3A_604 = tpu.memref_squeeze %dma_start3A_603 : memref<1x3200xf32, #tpu.memory_space<vmem>> -> memref<3200xf32, #tpu.memory_space<vmem>>
      tpu.enqueue_dma source(%dma_start3A_604 : memref<3200xf32, #tpu.memory_space<vmem>>) target(%dma_start3A_601 : memref<3200xf32, #tpu.memory_space<hbm>>) target_semaphore(%arg13 : memref<!tpu.dma_semaphore, #tpu.memory_space<semaphore_mem>>)
      %add3A_605 = arith.constant 0 : i32
      %add3A_606 = arith.addi %add3A_605, %mul3A_527 : i32
      %dma_start3A_607 = arith.constant 0 : i32
      %dma_start3A_608 = arith.constant 0 : i32
      %dma_start3A_609 = tpu.memref_slice %arg9[%dma_start3A_607, %dma_start3A_608] : memref<8x3200xf32, #tpu.memory_space<vmem>> -> memref<1x3200xf32, #tpu.memory_space<vmem>>
      %dma_start3A_610 = tpu.memref_squeeze %dma_start3A_609 : memref<1x3200xf32, #tpu.memory_space<vmem>> -> memref<3200xf32, #tpu.memory_space<vmem>>
      %dma_start3A_611 = tpu.memref_slice %arg5[%add3A_606] : memref<9600000xf32, #tpu.memory_space<hbm>> -> memref<3200xf32, #tpu.memory_space<hbm>>
      %dma_start3A_612 = tpu.memref_slice %arg5[%add3A_606] : memref<9600000xf32, #tpu.memory_space<hbm>> -> memref<3200xf32, #tpu.memory_space<hbm>>
      %dma_start3A_613 = arith.constant 0 : i32
      %dma_start3A_614 = tpu.memref_slice %arg9[%dma_start3A_607, %dma_start3A_613] : memref<8x3200xf32, #tpu.memory_space<vmem>> -> memref<1x3200xf32, #tpu.memory_space<vmem>>
      %dma_start3A_615 = tpu.memref_squeeze %dma_start3A_614 : memref<1x3200xf32, #tpu.memory_space<vmem>> -> memref<3200xf32, #tpu.memory_space<vmem>>
      tpu.enqueue_dma source(%dma_start3A_615 : memref<3200xf32, #tpu.memory_space<vmem>>) target(%dma_start3A_612 : memref<3200xf32, #tpu.memory_space<hbm>>) target_semaphore(%arg13 : memref<!tpu.dma_semaphore, #tpu.memory_space<semaphore_mem>>)
      %add3A_616 = arith.constant 1600000 : i32
      %add3A_617 = arith.addi %add3A_616, %mul3A_527 : i32
      %dma_start3A_618 = arith.constant 1 : i32
      %dma_start3A_619 = arith.constant 0 : i32
      %dma_start3A_620 = tpu.memref_slice %arg9[%dma_start3A_618, %dma_start3A_619] : memref<8x3200xf32, #tpu.memory_space<vmem>> -> memref<1x3200xf32, #tpu.memory_space<vmem>>
      %dma_start3A_621 = tpu.memref_squeeze %dma_start3A_620 : memref<1x3200xf32, #tpu.memory_space<vmem>> -> memref<3200xf32, #tpu.memory_space<vmem>>
      %dma_start3A_622 = tpu.memref_slice %arg5[%add3A_617] : memref<9600000xf32, #tpu.memory_space<hbm>> -> memref<3200xf32, #tpu.memory_space<hbm>>
      %dma_start3A_623 = tpu.memref_slice %arg5[%add3A_617] : memref<9600000xf32, #tpu.memory_space<hbm>> -> memref<3200xf32, #tpu.memory_space<hbm>>
      %dma_start3A_624 = arith.constant 0 : i32
      %dma_start3A_625 = tpu.memref_slice %arg9[%dma_start3A_618, %dma_start3A_624] : memref<8x3200xf32, #tpu.memory_space<vmem>> -> memref<1x3200xf32, #tpu.memory_space<vmem>>
      %dma_start3A_626 = tpu.memref_squeeze %dma_start3A_625 : memref<1x3200xf32, #tpu.memory_space<vmem>> -> memref<3200xf32, #tpu.memory_space<vmem>>
      tpu.enqueue_dma source(%dma_start3A_626 : memref<3200xf32, #tpu.memory_space<vmem>>) target(%dma_start3A_623 : memref<3200xf32, #tpu.memory_space<hbm>>) target_semaphore(%arg13 : memref<!tpu.dma_semaphore, #tpu.memory_space<semaphore_mem>>)
      %add3A_627 = arith.constant 3200000 : i32
      %add3A_628 = arith.addi %add3A_627, %mul3A_527 : i32
      %dma_start3A_629 = arith.constant 2 : i32
      %dma_start3A_630 = arith.constant 0 : i32
      %dma_start3A_631 = tpu.memref_slice %arg9[%dma_start3A_629, %dma_start3A_630] : memref<8x3200xf32, #tpu.memory_space<vmem>> -> memref<1x3200xf32, #tpu.memory_space<vmem>>
      %dma_start3A_632 = tpu.memref_squeeze %dma_start3A_631 : memref<1x3200xf32, #tpu.memory_space<vmem>> -> memref<3200xf32, #tpu.memory_space<vmem>>
      %dma_start3A_633 = tpu.memref_slice %arg5[%add3A_628] : memref<9600000xf32, #tpu.memory_space<hbm>> -> memref<3200xf32, #tpu.memory_space<hbm>>
      %dma_start3A_634 = tpu.memref_slice %arg5[%add3A_628] : memref<9600000xf32, #tpu.memory_space<hbm>> -> memref<3200xf32, #tpu.memory_space<hbm>>
      %dma_start3A_635 = arith.constant 0 : i32
      %dma_start3A_636 = tpu.memref_slice %arg9[%dma_start3A_629, %dma_start3A_635] : memref<8x3200xf32, #tpu.memory_space<vmem>> -> memref<1x3200xf32, #tpu.memory_space<vmem>>
      %dma_start3A_637 = tpu.memref_squeeze %dma_start3A_636 : memref<1x3200xf32, #tpu.memory_space<vmem>> -> memref<3200xf32, #tpu.memory_space<vmem>>
      tpu.enqueue_dma source(%dma_start3A_637 : memref<3200xf32, #tpu.memory_space<vmem>>) target(%dma_start3A_634 : memref<3200xf32, #tpu.memory_space<hbm>>) target_semaphore(%arg13 : memref<!tpu.dma_semaphore, #tpu.memory_space<semaphore_mem>>)
      %add3A_638 = arith.constant 4800000 : i32
      %add3A_639 = arith.addi %add3A_638, %mul3A_527 : i32
      %dma_start3A_640 = arith.constant 3 : i32
      %dma_start3A_641 = arith.constant 0 : i32
      %dma_start3A_642 = tpu.memref_slice %arg9[%dma_start3A_640, %dma_start3A_641] : memref<8x3200xf32, #tpu.memory_space<vmem>> -> memref<1x3200xf32, #tpu.memory_space<vmem>>
      %dma_start3A_643 = tpu.memref_squeeze %dma_start3A_642 : memref<1x3200xf32, #tpu.memory_space<vmem>> -> memref<3200xf32, #tpu.memory_space<vmem>>
      %dma_start3A_644 = tpu.memref_slice %arg5[%add3A_639] : memref<9600000xf32, #tpu.memory_space<hbm>> -> memref<3200xf32, #tpu.memory_space<hbm>>
      %dma_start3A_645 = tpu.memref_slice %arg5[%add3A_639] : memref<9600000xf32, #tpu.memory_space<hbm>> -> memref<3200xf32, #tpu.memory_space<hbm>>
      %dma_start3A_646 = arith.constant 0 : i32
      %dma_start3A_647 = tpu.memref_slice %arg9[%dma_start3A_640, %dma_start3A_646] : memref<8x3200xf32, #tpu.memory_space<vmem>> -> memref<1x3200xf32, #tpu.memory_space<vmem>>
      %dma_start3A_648 = tpu.memref_squeeze %dma_start3A_647 : memref<1x3200xf32, #tpu.memory_space<vmem>> -> memref<3200xf32, #tpu.memory_space<vmem>>
      tpu.enqueue_dma source(%dma_start3A_648 : memref<3200xf32, #tpu.memory_space<vmem>>) target(%dma_start3A_645 : memref<3200xf32, #tpu.memory_space<hbm>>) target_semaphore(%arg13 : memref<!tpu.dma_semaphore, #tpu.memory_space<semaphore_mem>>)
      %add3A_649 = arith.constant 6400000 : i32
      %add3A_650 = arith.addi %add3A_649, %mul3A_527 : i32
      %dma_start3A_651 = arith.constant 4 : i32
      %dma_start3A_652 = arith.constant 0 : i32
      %dma_start3A_653 = tpu.memref_slice %arg9[%dma_start3A_651, %dma_start3A_652] : memref<8x3200xf32, #tpu.memory_space<vmem>> -> memref<1x3200xf32, #tpu.memory_space<vmem>>
      %dma_start3A_654 = tpu.memref_squeeze %dma_start3A_653 : memref<1x3200xf32, #tpu.memory_space<vmem>> -> memref<3200xf32, #tpu.memory_space<vmem>>
      %dma_start3A_655 = tpu.memref_slice %arg5[%add3A_650] : memref<9600000xf32, #tpu.memory_space<hbm>> -> memref<3200xf32, #tpu.memory_space<hbm>>
      %dma_start3A_656 = tpu.memref_slice %arg5[%add3A_650] : memref<9600000xf32, #tpu.memory_space<hbm>> -> memref<3200xf32, #tpu.memory_space<hbm>>
      %dma_start3A_657 = arith.constant 0 : i32
      %dma_start3A_658 = tpu.memref_slice %arg9[%dma_start3A_651, %dma_start3A_657] : memref<8x3200xf32, #tpu.memory_space<vmem>> -> memref<1x3200xf32, #tpu.memory_space<vmem>>
      %dma_start3A_659 = tpu.memref_squeeze %dma_start3A_658 : memref<1x3200xf32, #tpu.memory_space<vmem>> -> memref<3200xf32, #tpu.memory_space<vmem>>
      tpu.enqueue_dma source(%dma_start3A_659 : memref<3200xf32, #tpu.memory_space<vmem>>) target(%dma_start3A_656 : memref<3200xf32, #tpu.memory_space<hbm>>) target_semaphore(%arg13 : memref<!tpu.dma_semaphore, #tpu.memory_space<semaphore_mem>>)
      %add3A_660 = arith.constant 8000000 : i32
      %add3A_661 = arith.addi %add3A_660, %mul3A_527 : i32
      %dma_start3A_662 = arith.constant 5 : i32
      %dma_start3A_663 = arith.constant 0 : i32
      %dma_start3A_664 = tpu.memref_slice %arg9[%dma_start3A_662, %dma_start3A_663] : memref<8x3200xf32, #tpu.memory_space<vmem>> -> memref<1x3200xf32, #tpu.memory_space<vmem>>
      %dma_start3A_665 = tpu.memref_squeeze %dma_start3A_664 : memref<1x3200xf32, #tpu.memory_space<vmem>> -> memref<3200xf32, #tpu.memory_space<vmem>>
      %dma_start3A_666 = tpu.memref_slice %arg5[%add3A_661] : memref<9600000xf32, #tpu.memory_space<hbm>> -> memref<3200xf32, #tpu.memory_space<hbm>>
      %dma_start3A_667 = tpu.memref_slice %arg5[%add3A_661] : memref<9600000xf32, #tpu.memory_space<hbm>> -> memref<3200xf32, #tpu.memory_space<hbm>>
      %dma_start3A_668 = arith.constant 0 : i32
      %dma_start3A_669 = tpu.memref_slice %arg9[%dma_start3A_662, %dma_start3A_668] : memref<8x3200xf32, #tpu.memory_space<vmem>> -> memref<1x3200xf32, #tpu.memory_space<vmem>>
      %dma_start3A_670 = tpu.memref_squeeze %dma_start3A_669 : memref<1x3200xf32, #tpu.memory_space<vmem>> -> memref<3200xf32, #tpu.memory_space<vmem>>
      tpu.enqueue_dma source(%dma_start3A_670 : memref<3200xf32, #tpu.memory_space<vmem>>) target(%dma_start3A_667 : memref<3200xf32, #tpu.memory_space<hbm>>) target_semaphore(%arg13 : memref<!tpu.dma_semaphore, #tpu.memory_space<semaphore_mem>>)
      %dma_wait3A_671 = arith.constant 0 : i32
      %dma_wait3A_672 = arith.constant 0 : i32
      %dma_wait3A_673 = arith.constant 0 : i32
      %dma_wait3A_674 = tpu.memref_slice %arg7[%dma_wait3A_672, %dma_wait3A_673] : memref<8x3200xf32, #tpu.memory_space<vmem>> -> memref<1x3200xf32, #tpu.memory_space<vmem>>
      %dma_wait3A_675 = tpu.memref_squeeze %dma_wait3A_674 : memref<1x3200xf32, #tpu.memory_space<vmem>> -> memref<3200xf32, #tpu.memory_space<vmem>>
      %dma_wait3A_676 = arith.constant 0 : i32
      %dma_wait3A_677 = tpu.memref_slice %arg2[%dma_wait3A_671, %dma_wait3A_676] : memref<7x1600000xf32, #tpu.memory_space<hbm>> -> memref<1x3200xf32, #tpu.memory_space<hbm>>
      %dma_wait3A_678 = tpu.memref_squeeze %dma_wait3A_677 : memref<1x3200xf32, #tpu.memory_space<hbm>> -> memref<3200xf32, #tpu.memory_space<hbm>>
      %dma_wait3A_679 = arith.constant 0 : i32
      %dma_wait3A_680 = tpu.memref_slice %arg7[%dma_wait3A_672, %dma_wait3A_679] : memref<8x3200xf32, #tpu.memory_space<vmem>> -> memref<1x3200xf32, #tpu.memory_space<vmem>>
      %dma_wait3A_681 = tpu.memref_squeeze %dma_wait3A_680 : memref<1x3200xf32, #tpu.memory_space<vmem>> -> memref<3200xf32, #tpu.memory_space<vmem>>
      %dma_wait3A_682 = arith.constant 0 : i32
      %dma_wait3A_683 = tpu.memref_slice %arg2[%dma_wait3A_671, %dma_wait3A_682] : memref<7x1600000xf32, #tpu.memory_space<hbm>> -> memref<1x3200xf32, #tpu.memory_space<hbm>>
      %dma_wait3A_684 = tpu.memref_squeeze %dma_wait3A_683 : memref<1x3200xf32, #tpu.memory_space<hbm>> -> memref<3200xf32, #tpu.memory_space<hbm>>
      tpu.wait_dma2 semaphore(%arg13 : memref<!tpu.dma_semaphore, #tpu.memory_space<semaphore_mem>>) src(%dma_wait3A_684 : memref<3200xf32, #tpu.memory_space<hbm>>) dst(%dma_wait3A_681 : memref<3200xf32, #tpu.memory_space<vmem>>)
      %dma_wait3A_685 = arith.constant 0 : i32
      %dma_wait3A_686 = arith.constant 1 : i32
      %dma_wait3A_687 = arith.constant 0 : i32
      %dma_wait3A_688 = tpu.memref_slice %arg7[%dma_wait3A_686, %dma_wait3A_687] : memref<8x3200xf32, #tpu.memory_space<vmem>> -> memref<1x3200xf32, #tpu.memory_space<vmem>>
      %dma_wait3A_689 = tpu.memref_squeeze %dma_wait3A_688 : memref<1x3200xf32, #tpu.memory_space<vmem>> -> memref<3200xf32, #tpu.memory_space<vmem>>
      %dma_wait3A_690 = arith.constant 0 : i32
      %dma_wait3A_691 = tpu.memref_slice %arg2[%dma_wait3A_685, %dma_wait3A_690] : memref<7x1600000xf32, #tpu.memory_space<hbm>> -> memref<1x3200xf32, #tpu.memory_space<hbm>>
      %dma_wait3A_692 = tpu.memref_squeeze %dma_wait3A_691 : memref<1x3200xf32, #tpu.memory_space<hbm>> -> memref<3200xf32, #tpu.memory_space<hbm>>
      %dma_wait3A_693 = arith.constant 0 : i32
      %dma_wait3A_694 = tpu.memref_slice %arg7[%dma_wait3A_686, %dma_wait3A_693] : memref<8x3200xf32, #tpu.memory_space<vmem>> -> memref<1x3200xf32, #tpu.memory_space<vmem>>
      %dma_wait3A_695 = tpu.memref_squeeze %dma_wait3A_694 : memref<1x3200xf32, #tpu.memory_space<vmem>> -> memref<3200xf32, #tpu.memory_space<vmem>>
      %dma_wait3A_696 = arith.constant 0 : i32
      %dma_wait3A_697 = tpu.memref_slice %arg2[%dma_wait3A_685, %dma_wait3A_696] : memref<7x1600000xf32, #tpu.memory_space<hbm>> -> memref<1x3200xf32, #tpu.memory_space<hbm>>
      %dma_wait3A_698 = tpu.memref_squeeze %dma_wait3A_697 : memref<1x3200xf32, #tpu.memory_space<hbm>> -> memref<3200xf32, #tpu.memory_space<hbm>>
      tpu.wait_dma2 semaphore(%arg13 : memref<!tpu.dma_semaphore, #tpu.memory_space<semaphore_mem>>) src(%dma_wait3A_698 : memref<3200xf32, #tpu.memory_space<hbm>>) dst(%dma_wait3A_695 : memref<3200xf32, #tpu.memory_space<vmem>>)
      %dma_wait3A_699 = arith.constant 0 : i32
      %dma_wait3A_700 = arith.constant 2 : i32
      %dma_wait3A_701 = arith.constant 0 : i32
      %dma_wait3A_702 = tpu.memref_slice %arg7[%dma_wait3A_700, %dma_wait3A_701] : memref<8x3200xf32, #tpu.memory_space<vmem>> -> memref<1x3200xf32, #tpu.memory_space<vmem>>
      %dma_wait3A_703 = tpu.memref_squeeze %dma_wait3A_702 : memref<1x3200xf32, #tpu.memory_space<vmem>> -> memref<3200xf32, #tpu.memory_space<vmem>>
      %dma_wait3A_704 = arith.constant 0 : i32
      %dma_wait3A_705 = tpu.memref_slice %arg2[%dma_wait3A_699, %dma_wait3A_704] : memref<7x1600000xf32, #tpu.memory_space<hbm>> -> memref<1x3200xf32, #tpu.memory_space<hbm>>
      %dma_wait3A_706 = tpu.memref_squeeze %dma_wait3A_705 : memref<1x3200xf32, #tpu.memory_space<hbm>> -> memref<3200xf32, #tpu.memory_space<hbm>>
      %dma_wait3A_707 = arith.constant 0 : i32
      %dma_wait3A_708 = tpu.memref_slice %arg7[%dma_wait3A_700, %dma_wait3A_707] : memref<8x3200xf32, #tpu.memory_space<vmem>> -> memref<1x3200xf32, #tpu.memory_space<vmem>>
      %dma_wait3A_709 = tpu.memref_squeeze %dma_wait3A_708 : memref<1x3200xf32, #tpu.memory_space<vmem>> -> memref<3200xf32, #tpu.memory_space<vmem>>
      %dma_wait3A_710 = arith.constant 0 : i32
      %dma_wait3A_711 = tpu.memref_slice %arg2[%dma_wait3A_699, %dma_wait3A_710] : memref<7x1600000xf32, #tpu.memory_space<hbm>> -> memref<1x3200xf32, #tpu.memory_space<hbm>>
      %dma_wait3A_712 = tpu.memref_squeeze %dma_wait3A_711 : memref<1x3200xf32, #tpu.memory_space<hbm>> -> memref<3200xf32, #tpu.memory_space<hbm>>
      tpu.wait_dma2 semaphore(%arg13 : memref<!tpu.dma_semaphore, #tpu.memory_space<semaphore_mem>>) src(%dma_wait3A_712 : memref<3200xf32, #tpu.memory_space<hbm>>) dst(%dma_wait3A_709 : memref<3200xf32, #tpu.memory_space<vmem>>)
      %dma_wait3A_713 = arith.constant 0 : i32
      %dma_wait3A_714 = arith.constant 3 : i32
      %dma_wait3A_715 = arith.constant 0 : i32
      %dma_wait3A_716 = tpu.memref_slice %arg7[%dma_wait3A_714, %dma_wait3A_715] : memref<8x3200xf32, #tpu.memory_space<vmem>> -> memref<1x3200xf32, #tpu.memory_space<vmem>>
      %dma_wait3A_717 = tpu.memref_squeeze %dma_wait3A_716 : memref<1x3200xf32, #tpu.memory_space<vmem>> -> memref<3200xf32, #tpu.memory_space<vmem>>
      %dma_wait3A_718 = arith.constant 0 : i32
      %dma_wait3A_719 = tpu.memref_slice %arg2[%dma_wait3A_713, %dma_wait3A_718] : memref<7x1600000xf32, #tpu.memory_space<hbm>> -> memref<1x3200xf32, #tpu.memory_space<hbm>>
      %dma_wait3A_720 = tpu.memref_squeeze %dma_wait3A_719 : memref<1x3200xf32, #tpu.memory_space<hbm>> -> memref<3200xf32, #tpu.memory_space<hbm>>
      %dma_wait3A_721 = arith.constant 0 : i32
      %dma_wait3A_722 = tpu.memref_slice %arg7[%dma_wait3A_714, %dma_wait3A_721] : memref<8x3200xf32, #tpu.memory_space<vmem>> -> memref<1x3200xf32, #tpu.memory_space<vmem>>
      %dma_wait3A_723 = tpu.memref_squeeze %dma_wait3A_722 : memref<1x3200xf32, #tpu.memory_space<vmem>> -> memref<3200xf32, #tpu.memory_space<vmem>>
      %dma_wait3A_724 = arith.constant 0 : i32
      %dma_wait3A_725 = tpu.memref_slice %arg2[%dma_wait3A_713, %dma_wait3A_724] : memref<7x1600000xf32, #tpu.memory_space<hbm>> -> memref<1x3200xf32, #tpu.memory_space<hbm>>
      %dma_wait3A_726 = tpu.memref_squeeze %dma_wait3A_725 : memref<1x3200xf32, #tpu.memory_space<hbm>> -> memref<3200xf32, #tpu.memory_space<hbm>>
      tpu.wait_dma2 semaphore(%arg13 : memref<!tpu.dma_semaphore, #tpu.memory_space<semaphore_mem>>) src(%dma_wait3A_726 : memref<3200xf32, #tpu.memory_space<hbm>>) dst(%dma_wait3A_723 : memref<3200xf32, #tpu.memory_space<vmem>>)
      %dma_wait3A_727 = arith.constant 0 : i32
      %dma_wait3A_728 = arith.constant 4 : i32
      %dma_wait3A_729 = arith.constant 0 : i32
      %dma_wait3A_730 = tpu.memref_slice %arg7[%dma_wait3A_728, %dma_wait3A_729] : memref<8x3200xf32, #tpu.memory_space<vmem>> -> memref<1x3200xf32, #tpu.memory_space<vmem>>
      %dma_wait3A_731 = tpu.memref_squeeze %dma_wait3A_730 : memref<1x3200xf32, #tpu.memory_space<vmem>> -> memref<3200xf32, #tpu.memory_space<vmem>>
      %dma_wait3A_732 = arith.constant 0 : i32
      %dma_wait3A_733 = tpu.memref_slice %arg2[%dma_wait3A_727, %dma_wait3A_732] : memref<7x1600000xf32, #tpu.memory_space<hbm>> -> memref<1x3200xf32, #tpu.memory_space<hbm>>
      %dma_wait3A_734 = tpu.memref_squeeze %dma_wait3A_733 : memref<1x3200xf32, #tpu.memory_space<hbm>> -> memref<3200xf32, #tpu.memory_space<hbm>>
      %dma_wait3A_735 = arith.constant 0 : i32
      %dma_wait3A_736 = tpu.memref_slice %arg7[%dma_wait3A_728, %dma_wait3A_735] : memref<8x3200xf32, #tpu.memory_space<vmem>> -> memref<1x3200xf32, #tpu.memory_space<vmem>>
      %dma_wait3A_737 = tpu.memref_squeeze %dma_wait3A_736 : memref<1x3200xf32, #tpu.memory_space<vmem>> -> memref<3200xf32, #tpu.memory_space<vmem>>
      %dma_wait3A_738 = arith.constant 0 : i32
      %dma_wait3A_739 = tpu.memref_slice %arg2[%dma_wait3A_727, %dma_wait3A_738] : memref<7x1600000xf32, #tpu.memory_space<hbm>> -> memref<1x3200xf32, #tpu.memory_space<hbm>>
      %dma_wait3A_740 = tpu.memref_squeeze %dma_wait3A_739 : memref<1x3200xf32, #tpu.memory_space<hbm>> -> memref<3200xf32, #tpu.memory_space<hbm>>
      tpu.wait_dma2 semaphore(%arg13 : memref<!tpu.dma_semaphore, #tpu.memory_space<semaphore_mem>>) src(%dma_wait3A_740 : memref<3200xf32, #tpu.memory_space<hbm>>) dst(%dma_wait3A_737 : memref<3200xf32, #tpu.memory_space<vmem>>)
      %dma_wait3A_741 = arith.constant 0 : i32
      %dma_wait3A_742 = arith.constant 5 : i32
      %dma_wait3A_743 = arith.constant 0 : i32
      %dma_wait3A_744 = tpu.memref_slice %arg7[%dma_wait3A_742, %dma_wait3A_743] : memref<8x3200xf32, #tpu.memory_space<vmem>> -> memref<1x3200xf32, #tpu.memory_space<vmem>>
      %dma_wait3A_745 = tpu.memref_squeeze %dma_wait3A_744 : memref<1x3200xf32, #tpu.memory_space<vmem>> -> memref<3200xf32, #tpu.memory_space<vmem>>
      %dma_wait3A_746 = arith.constant 0 : i32
      %dma_wait3A_747 = tpu.memref_slice %arg2[%dma_wait3A_741, %dma_wait3A_746] : memref<7x1600000xf32, #tpu.memory_space<hbm>> -> memref<1x3200xf32, #tpu.memory_space<hbm>>
      %dma_wait3A_748 = tpu.memref_squeeze %dma_wait3A_747 : memref<1x3200xf32, #tpu.memory_space<hbm>> -> memref<3200xf32, #tpu.memory_space<hbm>>
      %dma_wait3A_749 = arith.constant 0 : i32
      %dma_wait3A_750 = tpu.memref_slice %arg7[%dma_wait3A_742, %dma_wait3A_749] : memref<8x3200xf32, #tpu.memory_space<vmem>> -> memref<1x3200xf32, #tpu.memory_space<vmem>>
      %dma_wait3A_751 = tpu.memref_squeeze %dma_wait3A_750 : memref<1x3200xf32, #tpu.memory_space<vmem>> -> memref<3200xf32, #tpu.memory_space<vmem>>
      %dma_wait3A_752 = arith.constant 0 : i32
      %dma_wait3A_753 = tpu.memref_slice %arg2[%dma_wait3A_741, %dma_wait3A_752] : memref<7x1600000xf32, #tpu.memory_space<hbm>> -> memref<1x3200xf32, #tpu.memory_space<hbm>>
      %dma_wait3A_754 = tpu.memref_squeeze %dma_wait3A_753 : memref<1x3200xf32, #tpu.memory_space<hbm>> -> memref<3200xf32, #tpu.memory_space<hbm>>
      tpu.wait_dma2 semaphore(%arg13 : memref<!tpu.dma_semaphore, #tpu.memory_space<semaphore_mem>>) src(%dma_wait3A_754 : memref<3200xf32, #tpu.memory_space<hbm>>) dst(%dma_wait3A_751 : memref<3200xf32, #tpu.memory_space<vmem>>)
      %dma_wait3A_755 = arith.constant 0 : i32
      %dma_wait3A_756 = arith.constant 6 : i32
      %dma_wait3A_757 = arith.constant 0 : i32
      %dma_wait3A_758 = tpu.memref_slice %arg7[%dma_wait3A_756, %dma_wait3A_757] : memref<8x3200xf32, #tpu.memory_space<vmem>> -> memref<1x3200xf32, #tpu.memory_space<vmem>>
      %dma_wait3A_759 = tpu.memref_squeeze %dma_wait3A_758 : memref<1x3200xf32, #tpu.memory_space<vmem>> -> memref<3200xf32, #tpu.memory_space<vmem>>
      %dma_wait3A_760 = arith.constant 0 : i32
      %dma_wait3A_761 = tpu.memref_slice %arg2[%dma_wait3A_755, %dma_wait3A_760] : memref<7x1600000xf32, #tpu.memory_space<hbm>> -> memref<1x3200xf32, #tpu.memory_space<hbm>>
      %dma_wait3A_762 = tpu.memref_squeeze %dma_wait3A_761 : memref<1x3200xf32, #tpu.memory_space<hbm>> -> memref<3200xf32, #tpu.memory_space<hbm>>
      %dma_wait3A_763 = arith.constant 0 : i32
      %dma_wait3A_764 = tpu.memref_slice %arg7[%dma_wait3A_756, %dma_wait3A_763] : memref<8x3200xf32, #tpu.memory_space<vmem>> -> memref<1x3200xf32, #tpu.memory_space<vmem>>
      %dma_wait3A_765 = tpu.memref_squeeze %dma_wait3A_764 : memref<1x3200xf32, #tpu.memory_space<vmem>> -> memref<3200xf32, #tpu.memory_space<vmem>>
      %dma_wait3A_766 = arith.constant 0 : i32
      %dma_wait3A_767 = tpu.memref_slice %arg2[%dma_wait3A_755, %dma_wait3A_766] : memref<7x1600000xf32, #tpu.memory_space<hbm>> -> memref<1x3200xf32, #tpu.memory_space<hbm>>
      %dma_wait3A_768 = tpu.memref_squeeze %dma_wait3A_767 : memref<1x3200xf32, #tpu.memory_space<hbm>> -> memref<3200xf32, #tpu.memory_space<hbm>>
      tpu.wait_dma2 semaphore(%arg13 : memref<!tpu.dma_semaphore, #tpu.memory_space<semaphore_mem>>) src(%dma_wait3A_768 : memref<3200xf32, #tpu.memory_space<hbm>>) dst(%dma_wait3A_765 : memref<3200xf32, #tpu.memory_space<vmem>>)
      %dma_wait3A_769 = arith.constant 0 : i32
      %dma_wait3A_770 = arith.constant 0 : i32
      %dma_wait3A_771 = arith.constant 0 : i32
      %dma_wait3A_772 = tpu.memref_slice %arg9[%dma_wait3A_770, %dma_wait3A_771] : memref<8x3200xf32, #tpu.memory_space<vmem>> -> memref<1x3200xf32, #tpu.memory_space<vmem>>
      %dma_wait3A_773 = tpu.memref_squeeze %dma_wait3A_772 : memref<1x3200xf32, #tpu.memory_space<vmem>> -> memref<3200xf32, #tpu.memory_space<vmem>>
      %dma_wait3A_774 = arith.constant 0 : i32
      %dma_wait3A_775 = tpu.memref_slice %arg3[%dma_wait3A_769, %dma_wait3A_774] : memref<6x1600000xf32, #tpu.memory_space<hbm>> -> memref<1x3200xf32, #tpu.memory_space<hbm>>
      %dma_wait3A_776 = tpu.memref_squeeze %dma_wait3A_775 : memref<1x3200xf32, #tpu.memory_space<hbm>> -> memref<3200xf32, #tpu.memory_space<hbm>>
      %dma_wait3A_777 = arith.constant 0 : i32
      %dma_wait3A_778 = tpu.memref_slice %arg9[%dma_wait3A_770, %dma_wait3A_777] : memref<8x3200xf32, #tpu.memory_space<vmem>> -> memref<1x3200xf32, #tpu.memory_space<vmem>>
      %dma_wait3A_779 = tpu.memref_squeeze %dma_wait3A_778 : memref<1x3200xf32, #tpu.memory_space<vmem>> -> memref<3200xf32, #tpu.memory_space<vmem>>
      %dma_wait3A_780 = arith.constant 0 : i32
      %dma_wait3A_781 = tpu.memref_slice %arg3[%dma_wait3A_769, %dma_wait3A_780] : memref<6x1600000xf32, #tpu.memory_space<hbm>> -> memref<1x3200xf32, #tpu.memory_space<hbm>>
      %dma_wait3A_782 = tpu.memref_squeeze %dma_wait3A_781 : memref<1x3200xf32, #tpu.memory_space<hbm>> -> memref<3200xf32, #tpu.memory_space<hbm>>
      tpu.wait_dma2 semaphore(%arg13 : memref<!tpu.dma_semaphore, #tpu.memory_space<semaphore_mem>>) src(%dma_wait3A_782 : memref<3200xf32, #tpu.memory_space<hbm>>) dst(%dma_wait3A_779 : memref<3200xf32, #tpu.memory_space<vmem>>)
      %dma_wait3A_783 = arith.constant 0 : i32
      %dma_wait3A_784 = arith.constant 1 : i32
      %dma_wait3A_785 = arith.constant 0 : i32
      %dma_wait3A_786 = tpu.memref_slice %arg9[%dma_wait3A_784, %dma_wait3A_785] : memref<8x3200xf32, #tpu.memory_space<vmem>> -> memref<1x3200xf32, #tpu.memory_space<vmem>>
      %dma_wait3A_787 = tpu.memref_squeeze %dma_wait3A_786 : memref<1x3200xf32, #tpu.memory_space<vmem>> -> memref<3200xf32, #tpu.memory_space<vmem>>
      %dma_wait3A_788 = arith.constant 0 : i32
      %dma_wait3A_789 = tpu.memref_slice %arg3[%dma_wait3A_783, %dma_wait3A_788] : memref<6x1600000xf32, #tpu.memory_space<hbm>> -> memref<1x3200xf32, #tpu.memory_space<hbm>>
      %dma_wait3A_790 = tpu.memref_squeeze %dma_wait3A_789 : memref<1x3200xf32, #tpu.memory_space<hbm>> -> memref<3200xf32, #tpu.memory_space<hbm>>
      %dma_wait3A_791 = arith.constant 0 : i32
      %dma_wait3A_792 = tpu.memref_slice %arg9[%dma_wait3A_784, %dma_wait3A_791] : memref<8x3200xf32, #tpu.memory_space<vmem>> -> memref<1x3200xf32, #tpu.memory_space<vmem>>
      %dma_wait3A_793 = tpu.memref_squeeze %dma_wait3A_792 : memref<1x3200xf32, #tpu.memory_space<vmem>> -> memref<3200xf32, #tpu.memory_space<vmem>>
      %dma_wait3A_794 = arith.constant 0 : i32
      %dma_wait3A_795 = tpu.memref_slice %arg3[%dma_wait3A_783, %dma_wait3A_794] : memref<6x1600000xf32, #tpu.memory_space<hbm>> -> memref<1x3200xf32, #tpu.memory_space<hbm>>
      %dma_wait3A_796 = tpu.memref_squeeze %dma_wait3A_795 : memref<1x3200xf32, #tpu.memory_space<hbm>> -> memref<3200xf32, #tpu.memory_space<hbm>>
      tpu.wait_dma2 semaphore(%arg13 : memref<!tpu.dma_semaphore, #tpu.memory_space<semaphore_mem>>) src(%dma_wait3A_796 : memref<3200xf32, #tpu.memory_space<hbm>>) dst(%dma_wait3A_793 : memref<3200xf32, #tpu.memory_space<vmem>>)
      %dma_wait3A_797 = arith.constant 0 : i32
      %dma_wait3A_798 = arith.constant 2 : i32
      %dma_wait3A_799 = arith.constant 0 : i32
      %dma_wait3A_800 = tpu.memref_slice %arg9[%dma_wait3A_798, %dma_wait3A_799] : memref<8x3200xf32, #tpu.memory_space<vmem>> -> memref<1x3200xf32, #tpu.memory_space<vmem>>
      %dma_wait3A_801 = tpu.memref_squeeze %dma_wait3A_800 : memref<1x3200xf32, #tpu.memory_space<vmem>> -> memref<3200xf32, #tpu.memory_space<vmem>>
      %dma_wait3A_802 = arith.constant 0 : i32
      %dma_wait3A_803 = tpu.memref_slice %arg3[%dma_wait3A_797, %dma_wait3A_802] : memref<6x1600000xf32, #tpu.memory_space<hbm>> -> memref<1x3200xf32, #tpu.memory_space<hbm>>
      %dma_wait3A_804 = tpu.memref_squeeze %dma_wait3A_803 : memref<1x3200xf32, #tpu.memory_space<hbm>> -> memref<3200xf32, #tpu.memory_space<hbm>>
      %dma_wait3A_805 = arith.constant 0 : i32
      %dma_wait3A_806 = tpu.memref_slice %arg9[%dma_wait3A_798, %dma_wait3A_805] : memref<8x3200xf32, #tpu.memory_space<vmem>> -> memref<1x3200xf32, #tpu.memory_space<vmem>>
      %dma_wait3A_807 = tpu.memref_squeeze %dma_wait3A_806 : memref<1x3200xf32, #tpu.memory_space<vmem>> -> memref<3200xf32, #tpu.memory_space<vmem>>
      %dma_wait3A_808 = arith.constant 0 : i32
      %dma_wait3A_809 = tpu.memref_slice %arg3[%dma_wait3A_797, %dma_wait3A_808] : memref<6x1600000xf32, #tpu.memory_space<hbm>> -> memref<1x3200xf32, #tpu.memory_space<hbm>>
      %dma_wait3A_810 = tpu.memref_squeeze %dma_wait3A_809 : memref<1x3200xf32, #tpu.memory_space<hbm>> -> memref<3200xf32, #tpu.memory_space<hbm>>
      tpu.wait_dma2 semaphore(%arg13 : memref<!tpu.dma_semaphore, #tpu.memory_space<semaphore_mem>>) src(%dma_wait3A_810 : memref<3200xf32, #tpu.memory_space<hbm>>) dst(%dma_wait3A_807 : memref<3200xf32, #tpu.memory_space<vmem>>)
      %dma_wait3A_811 = arith.constant 0 : i32
      %dma_wait3A_812 = arith.constant 3 : i32
      %dma_wait3A_813 = arith.constant 0 : i32
      %dma_wait3A_814 = tpu.memref_slice %arg9[%dma_wait3A_812, %dma_wait3A_813] : memref<8x3200xf32, #tpu.memory_space<vmem>> -> memref<1x3200xf32, #tpu.memory_space<vmem>>
      %dma_wait3A_815 = tpu.memref_squeeze %dma_wait3A_814 : memref<1x3200xf32, #tpu.memory_space<vmem>> -> memref<3200xf32, #tpu.memory_space<vmem>>
      %dma_wait3A_816 = arith.constant 0 : i32
      %dma_wait3A_817 = tpu.memref_slice %arg3[%dma_wait3A_811, %dma_wait3A_816] : memref<6x1600000xf32, #tpu.memory_space<hbm>> -> memref<1x3200xf32, #tpu.memory_space<hbm>>
      %dma_wait3A_818 = tpu.memref_squeeze %dma_wait3A_817 : memref<1x3200xf32, #tpu.memory_space<hbm>> -> memref<3200xf32, #tpu.memory_space<hbm>>
      %dma_wait3A_819 = arith.constant 0 : i32
      %dma_wait3A_820 = tpu.memref_slice %arg9[%dma_wait3A_812, %dma_wait3A_819] : memref<8x3200xf32, #tpu.memory_space<vmem>> -> memref<1x3200xf32, #tpu.memory_space<vmem>>
      %dma_wait3A_821 = tpu.memref_squeeze %dma_wait3A_820 : memref<1x3200xf32, #tpu.memory_space<vmem>> -> memref<3200xf32, #tpu.memory_space<vmem>>
      %dma_wait3A_822 = arith.constant 0 : i32
      %dma_wait3A_823 = tpu.memref_slice %arg3[%dma_wait3A_811, %dma_wait3A_822] : memref<6x1600000xf32, #tpu.memory_space<hbm>> -> memref<1x3200xf32, #tpu.memory_space<hbm>>
      %dma_wait3A_824 = tpu.memref_squeeze %dma_wait3A_823 : memref<1x3200xf32, #tpu.memory_space<hbm>> -> memref<3200xf32, #tpu.memory_space<hbm>>
      tpu.wait_dma2 semaphore(%arg13 : memref<!tpu.dma_semaphore, #tpu.memory_space<semaphore_mem>>) src(%dma_wait3A_824 : memref<3200xf32, #tpu.memory_space<hbm>>) dst(%dma_wait3A_821 : memref<3200xf32, #tpu.memory_space<vmem>>)
      %dma_wait3A_825 = arith.constant 0 : i32
      %dma_wait3A_826 = arith.constant 4 : i32
      %dma_wait3A_827 = arith.constant 0 : i32
      %dma_wait3A_828 = tpu.memref_slice %arg9[%dma_wait3A_826, %dma_wait3A_827] : memref<8x3200xf32, #tpu.memory_space<vmem>> -> memref<1x3200xf32, #tpu.memory_space<vmem>>
      %dma_wait3A_829 = tpu.memref_squeeze %dma_wait3A_828 : memref<1x3200xf32, #tpu.memory_space<vmem>> -> memref<3200xf32, #tpu.memory_space<vmem>>
      %dma_wait3A_830 = arith.constant 0 : i32
      %dma_wait3A_831 = tpu.memref_slice %arg3[%dma_wait3A_825, %dma_wait3A_830] : memref<6x1600000xf32, #tpu.memory_space<hbm>> -> memref<1x3200xf32, #tpu.memory_space<hbm>>
      %dma_wait3A_832 = tpu.memref_squeeze %dma_wait3A_831 : memref<1x3200xf32, #tpu.memory_space<hbm>> -> memref<3200xf32, #tpu.memory_space<hbm>>
      %dma_wait3A_833 = arith.constant 0 : i32
      %dma_wait3A_834 = tpu.memref_slice %arg9[%dma_wait3A_826, %dma_wait3A_833] : memref<8x3200xf32, #tpu.memory_space<vmem>> -> memref<1x3200xf32, #tpu.memory_space<vmem>>
      %dma_wait3A_835 = tpu.memref_squeeze %dma_wait3A_834 : memref<1x3200xf32, #tpu.memory_space<vmem>> -> memref<3200xf32, #tpu.memory_space<vmem>>
      %dma_wait3A_836 = arith.constant 0 : i32
      %dma_wait3A_837 = tpu.memref_slice %arg3[%dma_wait3A_825, %dma_wait3A_836] : memref<6x1600000xf32, #tpu.memory_space<hbm>> -> memref<1x3200xf32, #tpu.memory_space<hbm>>
      %dma_wait3A_838 = tpu.memref_squeeze %dma_wait3A_837 : memref<1x3200xf32, #tpu.memory_space<hbm>> -> memref<3200xf32, #tpu.memory_space<hbm>>
      tpu.wait_dma2 semaphore(%arg13 : memref<!tpu.dma_semaphore, #tpu.memory_space<semaphore_mem>>) src(%dma_wait3A_838 : memref<3200xf32, #tpu.memory_space<hbm>>) dst(%dma_wait3A_835 : memref<3200xf32, #tpu.memory_space<vmem>>)
      %dma_wait3A_839 = arith.constant 0 : i32
      %dma_wait3A_840 = arith.constant 5 : i32
      %dma_wait3A_841 = arith.constant 0 : i32
      %dma_wait3A_842 = tpu.memref_slice %arg9[%dma_wait3A_840, %dma_wait3A_841] : memref<8x3200xf32, #tpu.memory_space<vmem>> -> memref<1x3200xf32, #tpu.memory_space<vmem>>
      %dma_wait3A_843 = tpu.memref_squeeze %dma_wait3A_842 : memref<1x3200xf32, #tpu.memory_space<vmem>> -> memref<3200xf32, #tpu.memory_space<vmem>>
      %dma_wait3A_844 = arith.constant 0 : i32
      %dma_wait3A_845 = tpu.memref_slice %arg3[%dma_wait3A_839, %dma_wait3A_844] : memref<6x1600000xf32, #tpu.memory_space<hbm>> -> memref<1x3200xf32, #tpu.memory_space<hbm>>
      %dma_wait3A_846 = tpu.memref_squeeze %dma_wait3A_845 : memref<1x3200xf32, #tpu.memory_space<hbm>> -> memref<3200xf32, #tpu.memory_space<hbm>>
      %dma_wait3A_847 = arith.constant 0 : i32
      %dma_wait3A_848 = tpu.memref_slice %arg9[%dma_wait3A_840, %dma_wait3A_847] : memref<8x3200xf32, #tpu.memory_space<vmem>> -> memref<1x3200xf32, #tpu.memory_space<vmem>>
      %dma_wait3A_849 = tpu.memref_squeeze %dma_wait3A_848 : memref<1x3200xf32, #tpu.memory_space<vmem>> -> memref<3200xf32, #tpu.memory_space<vmem>>
      %dma_wait3A_850 = arith.constant 0 : i32
      %dma_wait3A_851 = tpu.memref_slice %arg3[%dma_wait3A_839, %dma_wait3A_850] : memref<6x1600000xf32, #tpu.memory_space<hbm>> -> memref<1x3200xf32, #tpu.memory_space<hbm>>
      %dma_wait3A_852 = tpu.memref_squeeze %dma_wait3A_851 : memref<1x3200xf32, #tpu.memory_space<hbm>> -> memref<3200xf32, #tpu.memory_space<hbm>>
      tpu.wait_dma2 semaphore(%arg13 : memref<!tpu.dma_semaphore, #tpu.memory_space<semaphore_mem>>) src(%dma_wait3A_852 : memref<3200xf32, #tpu.memory_space<hbm>>) dst(%dma_wait3A_849 : memref<3200xf32, #tpu.memory_space<vmem>>)
      %add3A_853 = arith.constant 2 : i32
      %add3A_854 = arith.addi %add3A_496, %add3A_853 : i32
      %mul3A_855 = arith.constant 32 : i32
      %mul3A_856 = arith.muli %add3A_854, %mul3A_855 : i32
      %add3A_857 = arith.addi %add3A, %mul3A_856 : i32
      %min3A_858 = arith.constant 499 : i32
      %min3A_859 = arith.minsi %add3A_857, %min3A_858 : i32
      %mul3A_860 = arith.constant 3200 : i32
      %mul3A_861 = arith.muli %min3A_859, %mul3A_860 : i32
      %dma_start3A_862 = arith.constant 0 : i32
      %dma_start3A_863 = arith.constant 0 : i32
      %dma_start3A_864 = tpu.memref_slice %arg7[%dma_start3A_862, %dma_start3A_863] : memref<8x3200xf32, #tpu.memory_space<vmem>> -> memref<7x3200xf32, #tpu.memory_space<vmem>>
      %dma_start3A_865 = arith.constant 0 : i32
      %dma_start3A_866 = tpu.memref_slice %arg2[%dma_start3A_865, %mul3A_861] : memref<7x1600000xf32, #tpu.memory_space<hbm>> -> memref<7x3200xf32, #tpu.memory_space<hbm>>
      %dma_start3A_867 = arith.constant 0 : i32
      %dma_start3A_868 = arith.constant 0 : i32
      %dma_start3A_869 = tpu.memref_slice %arg7[%dma_start3A_867, %dma_start3A_868] : memref<8x3200xf32, #tpu.memory_space<vmem>> -> memref<7x3200xf32, #tpu.memory_space<vmem>>
      %dma_start3A_870 = arith.constant 0 : i32
      %dma_start3A_871 = tpu.memref_slice %arg2[%dma_start3A_870, %mul3A_861] : memref<7x1600000xf32, #tpu.memory_space<hbm>> -> memref<7x3200xf32, #tpu.memory_space<hbm>>
      tpu.enqueue_dma source(%dma_start3A_871 : memref<7x3200xf32, #tpu.memory_space<hbm>>) target(%dma_start3A_869 : memref<7x3200xf32, #tpu.memory_space<vmem>>) target_semaphore(%arg11 : memref<!tpu.dma_semaphore, #tpu.memory_space<semaphore_mem>>)
      %dma_start3A_872 = arith.constant 0 : i32
      %dma_start3A_873 = arith.constant 0 : i32
      %dma_start3A_874 = tpu.memref_slice %arg9[%dma_start3A_872, %dma_start3A_873] : memref<8x3200xf32, #tpu.memory_space<vmem>> -> memref<6x3200xf32, #tpu.memory_space<vmem>>
      %dma_start3A_875 = arith.constant 0 : i32
      %dma_start3A_876 = tpu.memref_slice %arg3[%dma_start3A_875, %mul3A_861] : memref<6x1600000xf32, #tpu.memory_space<hbm>> -> memref<6x3200xf32, #tpu.memory_space<hbm>>
      %dma_start3A_877 = arith.constant 0 : i32
      %dma_start3A_878 = arith.constant 0 : i32
      %dma_start3A_879 = tpu.memref_slice %arg9[%dma_start3A_877, %dma_start3A_878] : memref<8x3200xf32, #tpu.memory_space<vmem>> -> memref<6x3200xf32, #tpu.memory_space<vmem>>
      %dma_start3A_880 = arith.constant 0 : i32
      %dma_start3A_881 = tpu.memref_slice %arg3[%dma_start3A_880, %mul3A_861] : memref<6x1600000xf32, #tpu.memory_space<hbm>> -> memref<6x3200xf32, #tpu.memory_space<hbm>>
      tpu.enqueue_dma source(%dma_start3A_881 : memref<6x3200xf32, #tpu.memory_space<hbm>>) target(%dma_start3A_879 : memref<6x3200xf32, #tpu.memory_space<vmem>>) target_semaphore(%arg11 : memref<!tpu.dma_semaphore, #tpu.memory_space<semaphore_mem>>)
    }
    %scan3A_55 = arith.constant 8 : i32
    %dma_wait3A = arith.constant 0 : i32
    %dma_wait3A_56 = arith.constant 0 : i32
    %dma_wait3A_57 = tpu.memref_slice %arg6[%dma_wait3A, %dma_wait3A_56] : memref<8x3200xf32, #tpu.memory_space<vmem>> -> memref<7x3200xf32, #tpu.memory_space<vmem>>
    %dma_wait3A_58 = arith.constant 0 : i32
    %dma_wait3A_59 = arith.constant 0 : i32
    %dma_wait3A_60 = tpu.memref_slice %arg2[%dma_wait3A_58, %dma_wait3A_59] : memref<7x1600000xf32, #tpu.memory_space<hbm>> -> memref<7x3200xf32, #tpu.memory_space<hbm>>
    %dma_wait3A_61 = arith.constant 0 : i32
    %dma_wait3A_62 = arith.constant 0 : i32
    %dma_wait3A_63 = tpu.memref_slice %arg6[%dma_wait3A_61, %dma_wait3A_62] : memref<8x3200xf32, #tpu.memory_space<vmem>> -> memref<7x3200xf32, #tpu.memory_space<vmem>>
    %dma_wait3A_64 = arith.constant 0 : i32
    %dma_wait3A_65 = arith.constant 0 : i32
    %dma_wait3A_66 = tpu.memref_slice %arg2[%dma_wait3A_64, %dma_wait3A_65] : memref<7x1600000xf32, #tpu.memory_space<hbm>> -> memref<7x3200xf32, #tpu.memory_space<hbm>>
    tpu.wait_dma2 semaphore(%arg10 : memref<!tpu.dma_semaphore, #tpu.memory_space<semaphore_mem>>) src(%dma_wait3A_66 : memref<7x3200xf32, #tpu.memory_space<hbm>>) dst(%dma_wait3A_63 : memref<7x3200xf32, #tpu.memory_space<vmem>>)
    %dma_wait3A_67 = arith.constant 0 : i32
    %dma_wait3A_68 = arith.constant 0 : i32
    %dma_wait3A_69 = tpu.memref_slice %arg8[%dma_wait3A_67, %dma_wait3A_68] : memref<8x3200xf32, #tpu.memory_space<vmem>> -> memref<6x3200xf32, #tpu.memory_space<vmem>>
    %dma_wait3A_70 = arith.constant 0 : i32
    %dma_wait3A_71 = arith.constant 0 : i32
    %dma_wait3A_72 = tpu.memref_slice %arg3[%dma_wait3A_70, %dma_wait3A_71] : memref<6x1600000xf32, #tpu.memory_space<hbm>> -> memref<6x3200xf32, #tpu.memory_space<hbm>>
    %dma_wait3A_73 = arith.constant 0 : i32
    %dma_wait3A_74 = arith.constant 0 : i32
    %dma_wait3A_75 = tpu.memref_slice %arg8[%dma_wait3A_73, %dma_wait3A_74] : memref<8x3200xf32, #tpu.memory_space<vmem>> -> memref<6x3200xf32, #tpu.memory_space<vmem>>
    %dma_wait3A_76 = arith.constant 0 : i32
    %dma_wait3A_77 = arith.constant 0 : i32
    %dma_wait3A_78 = tpu.memref_slice %arg3[%dma_wait3A_76, %dma_wait3A_77] : memref<6x1600000xf32, #tpu.memory_space<hbm>> -> memref<6x3200xf32, #tpu.memory_space<hbm>>
    tpu.wait_dma2 semaphore(%arg10 : memref<!tpu.dma_semaphore, #tpu.memory_space<semaphore_mem>>) src(%dma_wait3A_78 : memref<6x3200xf32, #tpu.memory_space<hbm>>) dst(%dma_wait3A_75 : memref<6x3200xf32, #tpu.memory_space<vmem>>)
    %dma_wait3A_79 = arith.constant 0 : i32
    %dma_wait3A_80 = arith.constant 0 : i32
    %dma_wait3A_81 = tpu.memref_slice %arg7[%dma_wait3A_79, %dma_wait3A_80] : memref<8x3200xf32, #tpu.memory_space<vmem>> -> memref<7x3200xf32, #tpu.memory_space<vmem>>
    %dma_wait3A_82 = arith.constant 0 : i32
    %dma_wait3A_83 = arith.constant 0 : i32
    %dma_wait3A_84 = tpu.memref_slice %arg2[%dma_wait3A_82, %dma_wait3A_83] : memref<7x1600000xf32, #tpu.memory_space<hbm>> -> memref<7x3200xf32, #tpu.memory_space<hbm>>
    %dma_wait3A_85 = arith.constant 0 : i32
    %dma_wait3A_86 = arith.constant 0 : i32
    %dma_wait3A_87 = tpu.memref_slice %arg7[%dma_wait3A_85, %dma_wait3A_86] : memref<8x3200xf32, #tpu.memory_space<vmem>> -> memref<7x3200xf32, #tpu.memory_space<vmem>>
    %dma_wait3A_88 = arith.constant 0 : i32
    %dma_wait3A_89 = arith.constant 0 : i32
    %dma_wait3A_90 = tpu.memref_slice %arg2[%dma_wait3A_88, %dma_wait3A_89] : memref<7x1600000xf32, #tpu.memory_space<hbm>> -> memref<7x3200xf32, #tpu.memory_space<hbm>>
    tpu.wait_dma2 semaphore(%arg11 : memref<!tpu.dma_semaphore, #tpu.memory_space<semaphore_mem>>) src(%dma_wait3A_90 : memref<7x3200xf32, #tpu.memory_space<hbm>>) dst(%dma_wait3A_87 : memref<7x3200xf32, #tpu.memory_space<vmem>>)
    %dma_wait3A_91 = arith.constant 0 : i32
    %dma_wait3A_92 = arith.constant 0 : i32
    %dma_wait3A_93 = tpu.memref_slice %arg9[%dma_wait3A_91, %dma_wait3A_92] : memref<8x3200xf32, #tpu.memory_space<vmem>> -> memref<6x3200xf32, #tpu.memory_space<vmem>>
    %dma_wait3A_94 = arith.constant 0 : i32
    %dma_wait3A_95 = arith.constant 0 : i32
    %dma_wait3A_96 = tpu.memref_slice %arg3[%dma_wait3A_94, %dma_wait3A_95] : memref<6x1600000xf32, #tpu.memory_space<hbm>> -> memref<6x3200xf32, #tpu.memory_space<hbm>>
    %dma_wait3A_97 = arith.constant 0 : i32
    %dma_wait3A_98 = arith.constant 0 : i32
    %dma_wait3A_99 = tpu.memref_slice %arg9[%dma_wait3A_97, %dma_wait3A_98] : memref<8x3200xf32, #tpu.memory_space<vmem>> -> memref<6x3200xf32, #tpu.memory_space<vmem>>
    %dma_wait3A_100 = arith.constant 0 : i32
    %dma_wait3A_101 = arith.constant 0 : i32
    %dma_wait3A_102 = tpu.memref_slice %arg3[%dma_wait3A_100, %dma_wait3A_101] : memref<6x1600000xf32, #tpu.memory_space<hbm>> -> memref<6x3200xf32, #tpu.memory_space<hbm>>
    tpu.wait_dma2 semaphore(%arg11 : memref<!tpu.dma_semaphore, #tpu.memory_space<semaphore_mem>>) src(%dma_wait3A_102 : memref<6x3200xf32, #tpu.memory_space<hbm>>) dst(%dma_wait3A_99 : memref<6x3200xf32, #tpu.memory_space<vmem>>)
    return
  }
}

</mosaic_0001>

<sc_bundles>
// kernel: _pose_graph_conv.3.cloned.1.call-start
scs
__scs_entry_jumppad:
0x0: {  	(pc) =	sbr.rel $0x88, $3  }
0x1: {  	(tag) =	ssettag $0x0;
	lr =	simm.s32 $0x1  }
0x2: {  	[smem:$0x3F9F] =	sst lr;
	_ =	strace $0xD0000000  }
0x3: {  	_ = 	snop  }
0x4: {  	_ = 	snop  }
0x5: {  	_ = 	snop  }
0x6: {  	_ = 	snop  }
0x7: {  	_ = 	snop  }
__scs_overlays_trampoline_lowered:
0x8: {  	[smem:$0x3FAE] =	sst s0  }
0x9: {  	[smem:$0x3FAF] =	sst s1  }
0xa: {  	[smem:$0x3FB0] =	sst s2  }
0xb: {  	[smem:$0x3FB1] =	sst s3  }
0xc: {  	[smem:$0x3FB2] =	sst s4  }
0xd: {  	[smem:$0x3FB3] =	sst s5  }
0xe: {  	[smem:$0x3FB4] =	sst s6  }
0xf: {  	[smem:$0x3FB5] =	sst s7  }
0x10: {  	[smem:$0x3FB6] =	sst s8  }
0x11: {  	[smem:$0x3FB7] =	sst s9;
	s0 =	simm.s32 @!p0 $0x0  }
0x12: {  	s1 =	sld [smem:$0x3F9D];
	s0 =	simm.s32 @p0 $0x1  }
0x13: {  	[smem:$0x3FB8] =	sst s0;
	s0 =	simm.s32 @!p1 $0x0  }
0x14: {  	s2 =	sld [smem:$0x3F9C];
	s0 =	simm.s32 @p1 $0x1  }
0x15: {  	[smem:$0x3FB9] =	sst s0;
	s0 =	simm.s32 @!p2 $0x0  }
0x16: {  	s3 =	sld [smem:$0x3FDB];
	s0 =	simm.s32 @p2 $0x1  }
0x17: {  	s4 =	simm.s32 $0x1BF5;
	[smem:$0x3FBB] =	sst s0  }
0x18: {  	s0 =	sld [smem:$0x3F9E];
	_ =	swait.ge [sflag:s4], $0x0  }
0x19: {  	s7 =	sld [smem:$0x3F9F]  }
0x1a: {  	s8 =	sadd.s32 $0xFFFFE003, lr  }
0x1b: {  	s9 =	sadd.s32 $0xFFFFFEF7, lr;
	s5 =	simm.s32 $0xFFFFFFFF;
	p2 =	slt.u32 s8, $0xFFFFF086  }
0x1c: {  	p1 =	slt.u32 s9, $0xF7A;
	s5 =	simm.s32 @!p2 $0x0  }
0x1d: {  	s5 =	simm.s32 @p1 $0x1;
	p0 =	seq.s32 s7, s2  }
0x1e: {  	s7 =	smul.u32 @!p0 $0xF7A, s2;
	p2 =	seq.s32 @!p0 s5, $0x0  }
0x1f: {  	s9 =	smul.u32 $0xF7A, s1;
	s8 =	simm.s32 @!p0 $0x1BF5;
	p2 =	por !p2, p0  }
0x20: {  	[sflag:s8] =	ssyncset.s32 @!p0 $0xFFFFF086;
	s6 =	sadd.s32 @!p0 s3, s7;
	s7 =	simm.s32 @!p0 $0x108  }
0x21: {  	s3 =	sadd.s32 s3, s9;
	s6 =	sadd.s32 @!p0 $0x88, s6;
	s7 =	simm.s32 @p2 $0x1082  }
0x22: {  	[simem:s7], [sflag:s8] =	dma.local @!p0 [hbm:s6], $0xF7A  }
0x23: {  	s9 =	sor.u32 $0xD0000000, s2;
	s6 =	simm.s32 $0x108;
	_ =	swait.ge @!p0 [sflag:s8], $0x0  }
0x24: {  	s3 =	sadd.s32 $0x88, s3;
	s6 =	simm.s32 @!p1 $0x1082;
	[sflag:s4] =	ssyncset.s32 $0xFFFFF086  }
0x25: {  	[simem:s6], [sflag:s4] =	dma.local [hbm:s3], $0xF7A  }
0x26: {  	[smem:$0x3F9F] =	sst s1;
	(tag) =	ssettag s2;
	_ =	strace s9  }
0x27: {  	s1 =	sld [smem:$0x3FAF]  }
0x28: {  	s2 =	sld [smem:$0x3FB0]  }
0x29: {  	s4 =	sld [smem:$0x3FB2]  }
0x2a: {  	p0 =	seq.s32 s5, $0x0;
	s5 =	sld [smem:$0x3FB3]  }
0x2b: {  	s6 =	sld [smem:$0x3FB4]  }
0x2c: {  	s7 =	sld [smem:$0x3FB5]  }
0x2d: {  	s3 =	simm.s32 $0x108;
	s8 =	sld [smem:$0x3FB6]  }
0x2e: {  	s3 =	simm.s32 @!p0 $0x1082;
	s9 =	sld [smem:$0x3FB7]  }
0x2f: {  	lr =	sadd.s32 s0, s3;
	s0 =	sld [smem:$0x3FAE]  }
0x30: {  	s3 =	sld [smem:$0x3FB1]  }
0x31: {  	[smem:$0x3FBA] =	sst s10  }
0x32: {  	s10 =	sld [smem:$0x3FB8];
	_ =	sdelay $0x3  }
0x33: {  	p0 =	seq.s32 s10, $0x1;
	s10 =	sld [smem:$0x3FBA];
	_ =	sdelay $0x3  }
0x34: {  	[smem:$0x3FBA] =	sst s10  }
0x35: {  	s10 =	sld [smem:$0x3FB9];
	_ =	sdelay $0x3  }
0x36: {  	p1 =	seq.s32 s10, $0x1;
	s10 =	sld [smem:$0x3FBA];
	_ =	sdelay $0x3  }
0x37: {  	[smem:$0x3FBA] =	sst s10  }
0x38: {  	s10 =	sld [smem:$0x3FBB]  }
0x39: {  	_ = 	snop;
	(pc) =	sbr.ind lr, $3  }
0x3a: {  	_ = 	snop  }
0x3b: {  	_ = 	snop  }
0x3c: {  	p2 =	seq.s32 s10, $0x1;
	s10 =	sld [smem:$0x3FBA]  }
0x3d: {  	_ =	shalt  }
0x3e: {  	_ =	shalt  }
0x3f: {  	_ =	shalt  }
0x40: {  	_ =	shalt  }
0x41: {  	_ =	shalt  }
0x42: {  	_ =	shalt  }
0x43: {  	_ =	shalt  }
0x44: {  	_ =	shalt  }
0x45: {  	_ =	shalt  }
0x46: {  	_ =	shalt  }
0x47: {  	_ =	shalt  }
0x48: {  	_ =	shalt  }
0x49: {  	_ =	shalt  }
0x4a: {  	_ =	shalt  }
0x4b: {  	_ =	shalt  }
0x4c: {  	_ =	shalt  }
0x4d: {  	_ =	shalt  }
0x4e: {  	_ =	shalt  }
0x4f: {  	_ =	shalt  }
0x50: {  	_ =	shalt  }
0x51: {  	_ =	shalt  }
0x52: {  	_ =	shalt  }
0x53: {  	_ =	shalt  }
0x54: {  	_ =	shalt  }
0x55: {  	_ =	shalt  }
0x56: {  	_ =	shalt  }
0x57: {  	_ =	shalt  }
0x58: {  	_ =	shalt  }
0x59: {  	_ =	shalt  }
0x5a: {  	_ =	shalt  }
0x5b: {  	_ =	shalt  }
0x5c: {  	_ =	shalt  }
0x5d: {  	_ =	shalt  }
0x5e: {  	_ =	shalt  }
0x5f: {  	_ =	shalt  }
0x60: {  	_ =	shalt  }
0x61: {  	_ =	shalt  }
0x62: {  	_ =	shalt  }
0x63: {  	_ =	shalt  }
0x64: {  	_ =	shalt  }
0x65: {  	_ =	shalt  }
0x66: {  	_ =	shalt  }
0x67: {  	_ =	shalt  }
0x68: {  	_ =	shalt  }
0x69: {  	_ =	shalt  }
0x6a: {  	_ =	shalt  }
0x6b: {  	_ =	shalt  }
0x6c: {  	_ =	shalt  }
0x6d: {  	_ =	shalt  }
0x6e: {  	_ =	shalt  }
0x6f: {  	_ =	shalt  }
0x70: {  	_ =	shalt  }
0x71: {  	_ =	shalt  }
0x72: {  	_ =	shalt  }
0x73: {  	_ =	shalt  }
0x74: {  	_ =	shalt  }
0x75: {  	_ =	shalt  }
0x76: {  	_ =	shalt  }
0x77: {  	_ =	shalt  }
0x78: {  	_ =	shalt  }
0x79: {  	_ =	shalt  }
0x7a: {  	_ =	shalt  }
0x7b: {  	_ =	shalt  }
0x7c: {  	_ =	shalt  }
0x7d: {  	_ =	shalt  }
0x7e: {  	_ =	shalt  }
0x7f: {  	_ =	shalt  }
0x80: {  	_ =	shalt  }
0x81: {  	_ =	shalt  }
0x82: {  	_ =	shalt  }
0x83: {  	_ =	shalt  }
0x84: {  	_ =	shalt  }
0x85: {  	_ =	shalt  }
0x86: {  	_ =	shalt  }
0x87: {  	_ =	shalt  }
.Lfunc_end0:
.L_simem_size_0:
called_computation_lowered:
.L_overlay_start_0:
0x88: {  	s2 =	sld [smem:$0x3FD9]  }
0x89: {  	s3 =	sld [smem:$0x3FFE];
	_ =	sdelay $0x1  }
0x8a: {  	s1 =	srdreg.scid  }
0x8b: {  	s0 =	sand.u32 $0x1, s1  }
0x8c: {  	s15 =	sshll.u32 s0, $0xA;
	s2 =	sadd.s32 s3, s2  }
0x8d: {  	s2 =	sadd.s32 s2, s15  }
0x8e: {  	[smem:$0x3FC6] =	sst s2  }
0x8f: {  	_ = 	snop  }
0x90: {  	s2 =	sld [smem:$0x3FD0];
	_ =	sdelay $0x1  }
0x91: {  	s16 =	sld [smem:$0x3FC9]  }
0x92: {  	s5 =	simm.s32 $0xA;
	s6 =	simm.s32 $0x10;
	s4 =	sld [smem:$0x3FC8]  }
0x93: {  	[smem:s6], [sflag:s5] =	dma.local [hbm:s2], $0x1  }
0x94: {  	_ =	swait.eq [sflag:s5], $0x1  }
0x95: {  	[sflag:s5] =	ssyncset.done $0x0  }
0x96: {  	s17 =	sld [smem:$0x10];
	[sflag:s5] =	ssyncadd.s32 $0xFFFFFFFF  }
0x97: {  	s18 =	sld [smem:$0x11];
	(tm) =	ssettm $0x1  }
0x98: {  	s19 =	sld [smem:$0x3FFB];
	_ =	sdelay $0x3  }
0x99: {  	_ =	strace s19  }
0x9a: {  	s6 =	sld [smem:$0x3FFC];
	_ =	sdelay $0x3  }
0x9b: {  	_ =	strace s6  }
0x9c: {  	s6 =	sld [smem:$0x3FFD];
	_ =	sdelay $0x3  }
0x9d: {  	_ =	strace s6  }
0x9e: {  	_ =	strace $0x8FFFFFFF  }
0x9f: {  	s20 =	sld [smem:$0x3FDB];
	_ =	sdelay $0x1  }
0xa0: {  	s7 =	simm.s32 $_scs_section_size  }
0xa1: {  	s8 =	simm.s32 $_size__tile_overlayer_lowered;
	s9 =	simm.s32 $_tile_overlayer_lowered  }
0xa2: {  	s23 =	simm.s32 $0x1BFF;
	s22 =	sshll.u32 s9, $0x1;
	s6 =	sadd.s32 s7, s20  }
0xa3: {  	s10 =	simm.s32 $0x0;
	s21 =	sshll.u32 s8, $0x1;
	s8 =	sadd.s32 s22, s6  }
0xa4: {  	[timem:s10], [sflag:s23] =	dma.local [hbm:s8], s21  }
0xa5: {  	_ =	swait.ge [sflag:s23], s21  }
0xa6: {  	s7 =	ssub.s32 $0x0, s21;
	[sflag:s23] =	ssyncset.done $0x0  }
0xa7: {  	[sflag:s23] =	ssyncadd.s32 s7;
	_ =	sdelay $0x1  }
0xa8: {  	s24 =	simm.s32 $0x1B8B  }
0xa9: {  	_ =	swait.ge [sflag:s24], $0x1  }
0xaa: {  	[sflag:s24] =	ssyncset.done $0x0  }
0xab: {  	s25 =	simm.s32 $0x1B8E;
	[sflag:s24] =	ssyncadd.s32 $0xFFFFFFFF  }
0xac: {  	s26 =	simm.s32 $execute0_lowered;
	[smem:$0x3FD2] =	sst s25  }
0xad: {  	s7 =	sshll.u32 s26, $0x1;
	_ =	strace $0x80000046;
	[dreg:$0x1] =	wrdreg $0xFFFFFFFF  }
0xae: {  	s28 =	simm.s32 $_size_execute0_lowered;
	s6 =	sadd.s32 s6, s7;
	[dreg:$0x0] =	wrdreg $0x0  }
0xaf: {  	s7 =	sshll.u32 s28, $0x1;
	[dreg:$0x2] =	wrdreg s6  }
0xb0: {  	[dreg:$0x3] =	wrdreg s7  }
0xb1: {  	[dreg:$0x4] =	wrdreg $0xC0  }
0xb2: {  	_ =	task [dreg:s10], $0x5FFFF  }
0xb3: {  	[dreg:$0x1] =	wrdreg $0xFFFFFFFF  }
0xb4: {  	[dreg:$0x0] =	wrdreg $0x60  }
0xb5: {  	[dreg:$0x2] =	wrdreg s16  }
0xb6: {  	[dreg:$0x3] =	wrdreg s4  }
0xb7: {  	[dreg:$0x4] =	wrdreg s17  }
0xb8: {  	[dreg:$0x5] =	wrdreg s18  }
0xb9: {  	[dreg:$0x6] =	wrdreg $0x9  }
0xba: {  	_ =	task.clear_ibuf [dreg:s10], $0x7FFFF;
	_ =	strace $0x90000046  }
0xbb: {  	s29 =	simm.s32 $0x9;
	_ =	strace $0x80000048  }
0xbc: {  	_ =	swait.ge [sflag:s29], $0x1  }
0xbd: {  	[sflag:s29] =	ssyncadd.s32 $0xFFFFFFFF  }
0xbe: {  	_ =	strace $0x90000048  }
0xbf: {  	_ =	sfence  }
0xc0: {  	s30 =	sld [smem:$0x0];
	_ =	sdelay $0x2  }
0xc1: {  	s31 =	sshll.u32 s1, $0xD;
	s1 =	sshrl.u32 s1, $0x2  }
0xc2: {  	s3 =	sand.u32 $0x4000, s31;
	s1 =	sadd.s32 s1, s30  }
0xc3: {  	s0 =	sor.u32 s3, s0;
	s1 =	sshll.u32 s1, $0x11  }
0xc4: {  	s0 =	sor.u32 s1, s0  }
0xc5: {  	s0 =	sadd.s32 $0x8F2B, s0  }
0xc6: {  	[sflag:s0] =	ssyncadd.remote.s32 $0x1  }
0xc7: {  	_ =	sfence.sel $0xFFFF  }
0xc8: {  	[dreg:$0x0] =	wrdreg $0xFFFFFFFF;
	(pc) =	sbr.abs _section_cstart, $3  }
0xc9: {  	[dreg:$0x1] =	wrdreg $0xFFFFFFFF  }
0xca: {  	_ =	task.clear_ibuf [dreg:s10], $0x2FFFF;
	_ =	strace $0x9FFFFFFF  }
0xcb: {  	(tm) =	ssettm $0x7FFFFFFF  }
tec
execute0_lowered:
.L_overlay_start_1:
0x0: {  	(tag) =	ssettag $0x1  }
0x1: {  	s1 =	rddreg [dreg:$0x0]  }
0x2: {  	s2 =	rddreg [dreg:$0x1];
	s0 =	srdreg.scid  }
0x3: {  	s3 =	stileid.u32;
	s4 =	rddreg [dreg:$0x2]  }
0x4: {  	s5 =	rddreg [dreg:$0x3];
	s7 =	simm.s32 $0x0;
	s15 =	simm.s32 $0x1  }
0x5: {  	s16 =	simm.s32 $0x3;
	s0 =	sand.u32 $0x1, s0;
	s3 =	sshll.u32 s3, $0x1  }
0x6: {  	s17 =	simm.s32 $0x2;
	s18 =	simm.s32 $0x4;
	s6 =	sor.u32 s0, s3  }
0x7: {  	[smem:$0x7FF] =	sst s7;
	s0 =	ssub.s32 $0x2, s0;
	s3 =	smul.u32 $0x6400, s6  }
0x8: {  	_ =	strace $0x80000047;
	s8 =	sshrl.u32 s0, $0x1;
	s9 =	smul.u32 $0xC80, s6  }
0x9: {  	s12 =	sor.u32 $0x40, s6;
	s13 =	sor.u32 $0x60, s6;
	s0 =	ssub.s32 s0, s8  }
0xa: {  	s3 =	sshrl.u32 s3, $0x3;
	s8 =	sadd.s32 s1, s9;
	s0 =	smax.u32 s0, $0x1  }
0xb: {  	s9 =	sadd.s32 s2, s9;
	s3 =	sadd.s32 $0x19000, s3;
	[dreg:$0x5] =	wrdreg s0  }
0xc: {  	s10 =	sadd.s32 s1, s3;
	s11 =	sadd.s32 s2, s3;
	s3 =	simm.s32 $0x0  }
.LBB2_1:
0xd: {  	[dreg:$0x6] =	wrdreg s3;
	s20 =	simm.s32 $0x80  }
0xe: {  	s14 =	sadd.s32 $0x0, s8;
	s0 =	simm.s32 $0x400;
	s3 =	simm.s32 $0x0  }
.LBB2_2:
0xf: {  	[tilespmem:s3], [sflag:$0x1] =	stream.linear.gather [hbm4b:s14+s7], $0x380, $0x38;
	[tilespmem:$0x19000] =	vst v63  }
0x10: {  	s14 =	smov.u32 s20;
	s3 =	smov.u32 s0;
	p0 =	sne.s32 s20, $0xC00  }
.Ltmp0:
0x11: {  	s20 =	sadd.s32 $0x80, s20;
	(pc) =	sbr.rel @p0 .LBB2_2-.Ltmp0, $2  }
0x12: {  	_ =	sdelay $0x2  }
0x13: {  	s0 =	sadd.s32 $0x400, s0;
	s14 =	sadd.s32 s14, s8  }
0x14: {  	[tilespmem:s3], [sflag:$0x1] =	stream.linear.gather [hbm4b:s14+s7], $0x380, $0x38;
	[tilespmem:$0x19000] =	vst v63  }
0x15: {  	s20 =	simm.s32 $0xC800  }
0x16: {  	s3 =	simm.s32 $0x80;
	s14 =	sadd.s32 $0x0, s9;
	s0 =	simm.s32 $0xCC00  }
.LBB2_4:
0x17: {  	[tilespmem:s20], [sflag:$0x1] =	stream.linear.gather [hbm4b:s14+s7], $0x300, $0x38;
	[tilespmem:$0x19000] =	vst v63  }
0x18: {  	s14 =	smov.u32 s3;
	s20 =	smov.u32 s0;
	p0 =	sne.s32 s3, $0xC00  }
.Ltmp1:
0x19: {  	s3 =	sadd.s32 $0x80, s3;
	(pc) =	sbr.rel @p0 .LBB2_4-.Ltmp1, $2  }
0x1a: {  	_ =	sdelay $0x2  }
0x1b: {  	s0 =	sadd.s32 $0x400, s0;
	s14 =	sadd.s32 s14, s9  }
0x1c: {  	[tilespmem:s20], [sflag:$0x1] =	stream.linear.gather [hbm4b:s14+s7], $0x300, $0x38;
	[tilespmem:$0x19000] =	vst v63  }
0x1d: {  	s20 =	simm.s32 $0x6400  }
0x1e: {  	s3 =	simm.s32 $0x80;
	s14 =	sadd.s32 $0x0, s10;
	s0 =	simm.s32 $0x6800  }
.LBB2_6:
0x1f: {  	[tilespmem:s20], [sflag:$0x2] =	stream.linear.gather [hbm4b:s14+s7], $0x380, $0x38;
	[tilespmem:$0x19000] =	vst v63  }
0x20: {  	s14 =	smov.u32 s3;
	s20 =	smov.u32 s0;
	p0 =	sne.s32 s3, $0xC00  }
.Ltmp2:
0x21: {  	s3 =	sadd.s32 $0x80, s3;
	(pc) =	sbr.rel @p0 .LBB2_6-.Ltmp2, $2  }
0x22: {  	_ =	sdelay $0x2  }
0x23: {  	s0 =	sadd.s32 $0x400, s0;
	s14 =	sadd.s32 s14, s10  }
0x24: {  	[tilespmem:s20], [sflag:$0x2] =	stream.linear.gather [hbm4b:s14+s7], $0x380, $0x38;
	[tilespmem:$0x19000] =	vst v63  }
0x25: {  	s20 =	simm.s32 $0x0;
	s21 =	simm.s32 $0x12C00  }
0x26: {  	s3 =	simm.s32 $0x80;
	s14 =	sadd.s32 $0x0, s11;
	s0 =	simm.s32 $0x13000  }
.LBB2_8:
0x27: {  	[tilespmem:s21], [sflag:$0x2] =	stream.linear.gather [hbm4b:s14+s20], $0x300, $0x38;
	[tilespmem:$0x19000] =	vst v63  }
0x28: {  	s14 =	smov.u32 s3;
	s21 =	smov.u32 s0;
	p0 =	sne.s32 s3, $0xC00  }
.Ltmp3:
0x29: {  	s3 =	sadd.s32 $0x80, s3;
	(pc) =	sbr.rel @p0 .LBB2_8-.Ltmp3, $2  }
0x2a: {  	_ =	sdelay $0x2  }
0x2b: {  	s0 =	sadd.s32 $0x400, s0;
	s14 =	sadd.s32 s14, s11  }
0x2c: {  	[tilespmem:s21], [sflag:$0x2] =	stream.linear.gather [hbm4b:s14+s20], $0x300, $0x38;
	[tilespmem:$0x19000] =	vst v63  }
.LBB2_10:
0x2d: {  	s21 =	sshll.u32 s20, $0x6  }
0x2e: {  	_ =	swait.ge [sflag:s15], $0x5780;
	s22 =	sor.u32 s6, s21  }
0x2f: {  	[sflag:s15] =	ssyncset.done $0x0;
	s0 =	smul.u32 $0xC80, s22  }
0x30: {  	[sflag:s15] =	ssyncadd.s32 $0xFFFFA880  }
0x31: {  	s24 =	simm.s32 $0x0;
	_ =	swait.ge [sflag:s15], $0x4B00;
	s23 =	sshrl.u32 s0, $0x3  }
0x32: {  	s3 =	simm.s32 $0x10;
	[sflag:s15] =	ssyncset.done $0x0;
	s30 =	sadd.s32 s4, s23  }
0x33: {  	s0 =	simm.s32 $0x400;
	[sflag:s15] =	ssyncadd.s32 $0xFFFFB500;
	s14 =	sadd.s32 $0x0, s30  }
.LBB2_11:
0x34: {  	[hbm4b:s14+s7] =	stream.linear.scatter [tilespmem:s24], [sflag:$0x3], $0x80, $0x38;
	[tilespmem:$0x19000] =	vst v63  }
0x35: {  	s14 =	smov.u32 s3;
	s24 =	smov.u32 s0;
	p0 =	sne.s32 s3, $0x180  }
.Ltmp4:
0x36: {  	s3 =	sadd.s32 $0x10, s3;
	(pc) =	sbr.rel @p0 .LBB2_11-.Ltmp4, $2  }
0x37: {  	_ =	sdelay $0x2  }
0x38: {  	s0 =	sadd.s32 $0x400, s0;
	s14 =	sadd.s32 s14, s30  }
0x39: {  	[hbm4b:s14+s7] =	stream.linear.scatter [tilespmem:s24], [sflag:$0x3], $0x80, $0x38;
	[tilespmem:$0x19000] =	vst v63  }
0x3a: {  	s24 =	sadd.s32 $0x30D40, s23  }
0x3b: {  	s26 =	simm.s32 $0x80;
	s25 =	sadd.s32 s4, s24  }
0x3c: {  	s3 =	simm.s32 $0x10;
	s0 =	simm.s32 $0x480;
	s14 =	sadd.s32 $0x0, s25  }
.LBB2_13:
0x3d: {  	[hbm4b:s14+s7] =	stream.linear.scatter [tilespmem:s26], [sflag:$0x3], $0x80, $0x38;
	[tilespmem:$0x19000] =	vst v63  }
0x3e: {  	s14 =	smov.u32 s3;
	s26 =	smov.u32 s0;
	p0 =	sne.s32 s3, $0x180  }
.Ltmp5:
0x3f: {  	s3 =	sadd.s32 $0x10, s3;
	(pc) =	sbr.rel @p0 .LBB2_13-.Ltmp5, $2  }
0x40: {  	_ =	sdelay $0x2  }
0x41: {  	s0 =	sadd.s32 $0x400, s0;
	s14 =	sadd.s32 s14, s25  }
0x42: {  	[hbm4b:s14+s7] =	stream.linear.scatter [tilespmem:s26], [sflag:$0x3], $0x80, $0x38;
	[tilespmem:$0x19000] =	vst v63  }
0x43: {  	s25 =	sadd.s32 $0x61A80, s23  }
0x44: {  	s28 =	simm.s32 $0x100;
	s26 =	sadd.s32 s4, s25  }
0x45: {  	s3 =	simm.s32 $0x10;
	s0 =	simm.s32 $0x500;
	s14 =	sadd.s32 $0x0, s26  }
.LBB2_15:
0x46: {  	[hbm4b:s14+s7] =	stream.linear.scatter [tilespmem:s28], [sflag:$0x3], $0x80, $0x38;
	[tilespmem:$0x19000] =	vst v63  }
0x47: {  	s14 =	smov.u32 s3;
	s28 =	smov.u32 s0;
	p0 =	sne.s32 s3, $0x180  }
.Ltmp6:
0x48: {  	s3 =	sadd.s32 $0x10, s3;
	(pc) =	sbr.rel @p0 .LBB2_15-.Ltmp6, $2  }
0x49: {  	_ =	sdelay $0x2  }
0x4a: {  	s0 =	sadd.s32 $0x400, s0;
	s14 =	sadd.s32 s14, s26  }
0x4b: {  	[hbm4b:s14+s7] =	stream.linear.scatter [tilespmem:s28], [sflag:$0x3], $0x80, $0x38;
	[tilespmem:$0x19000] =	vst v63  }
0x4c: {  	s26 =	sadd.s32 $0x927C0, s23  }
0x4d: {  	s29 =	simm.s32 $0x180;
	s28 =	sadd.s32 s4, s26  }
0x4e: {  	s3 =	simm.s32 $0x10;
	s0 =	simm.s32 $0x580;
	s14 =	sadd.s32 $0x0, s28  }
.LBB2_17:
0x4f: {  	[hbm4b:s14+s7] =	stream.linear.scatter [tilespmem:s29], [sflag:$0x3], $0x80, $0x38;
	[tilespmem:$0x19000] =	vst v63  }
0x50: {  	s14 =	smov.u32 s3;
	s29 =	smov.u32 s0;
	p0 =	sne.s32 s3, $0x180  }
.Ltmp7:
0x51: {  	s3 =	sadd.s32 $0x10, s3;
	(pc) =	sbr.rel @p0 .LBB2_17-.Ltmp7, $2  }
0x52: {  	_ =	sdelay $0x2  }
0x53: {  	s0 =	sadd.s32 $0x400, s0;
	s14 =	sadd.s32 s14, s28  }
0x54: {  	[hbm4b:s14+s7] =	stream.linear.scatter [tilespmem:s29], [sflag:$0x3], $0x80, $0x38;
	[tilespmem:$0x19000] =	vst v63  }
0x55: {  	s28 =	sadd.s32 $0xC3500, s23  }
0x56: {  	s31 =	simm.s32 $0x200;
	s29 =	sadd.s32 s4, s28  }
0x57: {  	s3 =	simm.s32 $0x10;
	s0 =	simm.s32 $0x600;
	s14 =	sadd.s32 $0x0, s29  }
.LBB2_19:
0x58: {  	[hbm4b:s14+s7] =	stream.linear.scatter [tilespmem:s31], [sflag:$0x3], $0x80, $0x38;
	[tilespmem:$0x19000] =	vst v63  }
0x59: {  	s14 =	smov.u32 s3;
	s31 =	smov.u32 s0;
	p0 =	sne.s32 s3, $0x180  }
.Ltmp8:
0x5a: {  	s3 =	sadd.s32 $0x10, s3;
	(pc) =	sbr.rel @p0 .LBB2_19-.Ltmp8, $2  }
0x5b: {  	_ =	sdelay $0x2  }
0x5c: {  	s0 =	sadd.s32 $0x400, s0;
	s14 =	sadd.s32 s14, s29  }
0x5d: {  	[hbm4b:s14+s7] =	stream.linear.scatter [tilespmem:s31], [sflag:$0x3], $0x80, $0x38;
	[tilespmem:$0x19000] =	vst v63  }
0x5e: {  	s29 =	sadd.s32 $0xF4240, s23  }
0x5f: {  	s3 =	simm.s32 $0x280;
	s31 =	sadd.s32 s4, s29  }
0x60: {  	s0 =	simm.s32 $0x10;
	s14 =	simm.s32 $0x680;
	s19 =	sadd.s32 $0x0, s31  }
.LBB2_21:
0x61: {  	[hbm4b:s19+s7] =	stream.linear.scatter [tilespmem:s3], [sflag:$0x3], $0x80, $0x38;
	[tilespmem:$0x19000] =	vst v63  }
0x62: {  	s19 =	smov.u32 s0;
	s3 =	smov.u32 s14;
	p0 =	sne.s32 s0, $0x180  }
.Ltmp9:
0x63: {  	s0 =	sadd.s32 $0x10, s0;
	(pc) =	sbr.rel @p0 .LBB2_21-.Ltmp9, $2  }
0x64: {  	_ =	sdelay $0x2  }
0x65: {  	s14 =	sadd.s32 $0x400, s14;
	s19 =	sadd.s32 s19, s31  }
0x66: {  	[hbm4b:s19+s7] =	stream.linear.scatter [tilespmem:s3], [sflag:$0x3], $0x80, $0x38;
	[tilespmem:$0x19000] =	vst v63  }
0x67: {  	s30 =	sadd.s32 $0x124F80, s30;
	s3 =	simm.s32 $0x300  }
0x68: {  	s0 =	simm.s32 $0x10;
	s14 =	simm.s32 $0x700;
	s19 =	sadd.s32 $0x0, s30  }
.LBB2_23:
0x69: {  	[hbm4b:s19+s7] =	stream.linear.scatter [tilespmem:s3], [sflag:$0x3], $0x80, $0x38;
	[tilespmem:$0x19000] =	vst v63  }
0x6a: {  	s19 =	smov.u32 s0;
	s3 =	smov.u32 s14;
	p0 =	sne.s32 s0, $0x180  }
.Ltmp10:
0x6b: {  	s0 =	sadd.s32 $0x10, s0;
	(pc) =	sbr.rel @p0 .LBB2_23-.Ltmp10, $2  }
0x6c: {  	_ =	sdelay $0x2  }
0x6d: {  	s14 =	sadd.s32 $0x400, s14;
	s19 =	sadd.s32 s19, s30  }
0x6e: {  	[hbm4b:s19+s7] =	stream.linear.scatter [tilespmem:s3], [sflag:$0x3], $0x80, $0x38;
	[tilespmem:$0x19000] =	vst v63  }
0x6f: {  	s23 =	sadd.s32 s5, s23;
	s3 =	simm.s32 $0xC800  }
0x70: {  	s0 =	simm.s32 $0x10;
	s14 =	simm.s32 $0xCC00;
	s19 =	sadd.s32 $0x0, s23  }
.LBB2_25:
0x71: {  	[hbm4b:s19+s7] =	stream.linear.scatter [tilespmem:s3], [sflag:$0x3], $0x80, $0x38;
	[tilespmem:$0x19000] =	vst v63  }
0x72: {  	s19 =	smov.u32 s0;
	s3 =	smov.u32 s14;
	p0 =	sne.s32 s0, $0x180  }
.Ltmp11:
0x73: {  	s0 =	sadd.s32 $0x10, s0;
	(pc) =	sbr.rel @p0 .LBB2_25-.Ltmp11, $2  }
0x74: {  	_ =	sdelay $0x2  }
0x75: {  	s14 =	sadd.s32 $0x400, s14;
	s19 =	sadd.s32 s19, s23  }
0x76: {  	[hbm4b:s19+s7] =	stream.linear.scatter [tilespmem:s3], [sflag:$0x3], $0x80, $0x38;
	[tilespmem:$0x19000] =	vst v63  }
0x77: {  	s23 =	sadd.s32 s5, s24;
	s3 =	simm.s32 $0xC880  }
0x78: {  	s0 =	simm.s32 $0x10;
	s14 =	simm.s32 $0xCC80;
	s19 =	sadd.s32 $0x0, s23  }
.LBB2_27:
0x79: {  	[hbm4b:s19+s7] =	stream.linear.scatter [tilespmem:s3], [sflag:$0x3], $0x80, $0x38;
	[tilespmem:$0x19000] =	vst v63  }
0x7a: {  	s19 =	smov.u32 s0;
	s3 =	smov.u32 s14;
	p0 =	sne.s32 s0, $0x180  }
.Ltmp12:
0x7b: {  	s0 =	sadd.s32 $0x10, s0;
	(pc) =	sbr.rel @p0 .LBB2_27-.Ltmp12, $2  }
0x7c: {  	_ =	sdelay $0x2  }
0x7d: {  	s14 =	sadd.s32 $0x400, s14;
	s19 =	sadd.s32 s19, s23  }
0x7e: {  	[hbm4b:s19+s7] =	stream.linear.scatter [tilespmem:s3], [sflag:$0x3], $0x80, $0x38;
	[tilespmem:$0x19000] =	vst v63  }
0x7f: {  	s23 =	sadd.s32 s5, s25;
	s3 =	simm.s32 $0xC900  }
0x80: {  	s0 =	simm.s32 $0x10;
	s14 =	simm.s32 $0xCD00;
	s19 =	sadd.s32 $0x0, s23  }
.LBB2_29:
0x81: {  	[hbm4b:s19+s7] =	stream.linear.scatter [tilespmem:s3], [sflag:$0x3], $0x80, $0x38;
	[tilespmem:$0x19000] =	vst v63  }
0x82: {  	s19 =	smov.u32 s0;
	s3 =	smov.u32 s14;
	p0 =	sne.s32 s0, $0x180  }
.Ltmp13:
0x83: {  	s0 =	sadd.s32 $0x10, s0;
	(pc) =	sbr.rel @p0 .LBB2_29-.Ltmp13, $2  }
0x84: {  	_ =	sdelay $0x2  }
0x85: {  	s14 =	sadd.s32 $0x400, s14;
	s19 =	sadd.s32 s19, s23  }
0x86: {  	[hbm4b:s19+s7] =	stream.linear.scatter [tilespmem:s3], [sflag:$0x3], $0x80, $0x38;
	[tilespmem:$0x19000] =	vst v63  }
0x87: {  	s23 =	sadd.s32 s5, s26;
	s3 =	simm.s32 $0xC980  }
0x88: {  	s0 =	simm.s32 $0x10;
	s14 =	simm.s32 $0xCD80;
	s19 =	sadd.s32 $0x0, s23  }
.LBB2_31:
0x89: {  	[hbm4b:s19+s7] =	stream.linear.scatter [tilespmem:s3], [sflag:$0x3], $0x80, $0x38;
	[tilespmem:$0x19000] =	vst v63  }
0x8a: {  	s19 =	smov.u32 s0;
	s3 =	smov.u32 s14;
	p0 =	sne.s32 s0, $0x180  }
.Ltmp14:
0x8b: {  	s0 =	sadd.s32 $0x10, s0;
	(pc) =	sbr.rel @p0 .LBB2_31-.Ltmp14, $2  }
0x8c: {  	_ =	sdelay $0x2  }
0x8d: {  	s14 =	sadd.s32 $0x400, s14;
	s19 =	sadd.s32 s19, s23  }
0x8e: {  	[hbm4b:s19+s7] =	stream.linear.scatter [tilespmem:s3], [sflag:$0x3], $0x80, $0x38;
	[tilespmem:$0x19000] =	vst v63  }
0x8f: {  	s23 =	sadd.s32 s5, s28;
	s3 =	simm.s32 $0xCA00  }
0x90: {  	s0 =	simm.s32 $0x10;
	s14 =	simm.s32 $0xCE00;
	s19 =	sadd.s32 $0x0, s23  }
.LBB2_33:
0x91: {  	[hbm4b:s19+s7] =	stream.linear.scatter [tilespmem:s3], [sflag:$0x3], $0x80, $0x38;
	[tilespmem:$0x19000] =	vst v63  }
0x92: {  	s19 =	smov.u32 s0;
	s3 =	smov.u32 s14;
	p0 =	sne.s32 s0, $0x180  }
.Ltmp15:
0x93: {  	s0 =	sadd.s32 $0x10, s0;
	(pc) =	sbr.rel @p0 .LBB2_33-.Ltmp15, $2  }
0x94: {  	_ =	sdelay $0x2  }
0x95: {  	s14 =	sadd.s32 $0x400, s14;
	s19 =	sadd.s32 s19, s23  }
0x96: {  	[hbm4b:s19+s7] =	stream.linear.scatter [tilespmem:s3], [sflag:$0x3], $0x80, $0x38;
	[tilespmem:$0x19000] =	vst v63  }
0x97: {  	s23 =	sadd.s32 s5, s29;
	s3 =	simm.s32 $0xCA80  }
0x98: {  	s0 =	simm.s32 $0x10;
	s14 =	simm.s32 $0xCE80;
	s19 =	sadd.s32 $0x0, s23  }
.LBB2_35:
0x99: {  	[hbm4b:s19+s7] =	stream.linear.scatter [tilespmem:s3], [sflag:$0x3], $0x80, $0x38;
	[tilespmem:$0x19000] =	vst v63  }
0x9a: {  	s19 =	smov.u32 s0;
	s3 =	smov.u32 s14;
	p0 =	sne.s32 s0, $0x180  }
.Ltmp16:
0x9b: {  	s0 =	sadd.s32 $0x10, s0;
	(pc) =	sbr.rel @p0 .LBB2_35-.Ltmp16, $2  }
0x9c: {  	_ =	sdelay $0x2  }
0x9d: {  	s14 =	sadd.s32 $0x400, s14;
	s19 =	sadd.s32 s19, s23  }
0x9e: {  	[hbm4b:s19+s7] =	stream.linear.scatter [tilespmem:s3], [sflag:$0x3], $0x80, $0x38;
	[tilespmem:$0x19000] =	vst v63  }
0x9f: {  	_ =	swait.ge [sflag:s16], $0xC80  }
0xa0: {  	[sflag:s16] =	ssyncset.done $0x0  }
0xa1: {  	[sflag:s16] =	ssyncadd.s32 $0xFFFFF380  }
0xa2: {  	_ =	swait.ge [sflag:s16], $0xC80  }
0xa3: {  	[sflag:s16] =	ssyncset.done $0x0  }
0xa4: {  	[sflag:s16] =	ssyncadd.s32 $0xFFFFF380  }
0xa5: {  	_ =	swait.ge [sflag:s16], $0xC80  }
0xa6: {  	[sflag:s16] =	ssyncset.done $0x0  }
0xa7: {  	[sflag:s16] =	ssyncadd.s32 $0xFFFFF380  }
0xa8: {  	_ =	swait.ge [sflag:s16], $0xC80  }
0xa9: {  	[sflag:s16] =	ssyncset.done $0x0  }
0xaa: {  	[sflag:s16] =	ssyncadd.s32 $0xFFFFF380  }
0xab: {  	_ =	swait.ge [sflag:s16], $0xC80  }
0xac: {  	[sflag:s16] =	ssyncset.done $0x0  }
0xad: {  	[sflag:s16] =	ssyncadd.s32 $0xFFFFF380  }
0xae: {  	_ =	swait.ge [sflag:s16], $0xC80  }
0xaf: {  	[sflag:s16] =	ssyncset.done $0x0  }
0xb0: {  	[sflag:s16] =	ssyncadd.s32 $0xFFFFF380  }
0xb1: {  	_ =	swait.ge [sflag:s16], $0xC80  }
0xb2: {  	[sflag:s16] =	ssyncset.done $0x0  }
0xb3: {  	[sflag:s16] =	ssyncadd.s32 $0xFFFFF380  }
0xb4: {  	_ =	swait.ge [sflag:s16], $0xC80  }
0xb5: {  	[sflag:s16] =	ssyncset.done $0x0  }
0xb6: {  	[sflag:s16] =	ssyncadd.s32 $0xFFFFF380  }
0xb7: {  	_ =	swait.ge [sflag:s16], $0xC80  }
0xb8: {  	[sflag:s16] =	ssyncset.done $0x0  }
0xb9: {  	[sflag:s16] =	ssyncadd.s32 $0xFFFFF380  }
0xba: {  	_ =	swait.ge [sflag:s16], $0xC80  }
0xbb: {  	[sflag:s16] =	ssyncset.done $0x0  }
0xbc: {  	[sflag:s16] =	ssyncadd.s32 $0xFFFFF380  }
0xbd: {  	_ =	swait.ge [sflag:s16], $0xC80  }
0xbe: {  	[sflag:s16] =	ssyncset.done $0x0  }
0xbf: {  	[sflag:s16] =	ssyncadd.s32 $0xFFFFF380  }
0xc0: {  	s0 =	sadd.s32 s12, s21;
	_ =	swait.ge [sflag:s16], $0xC80  }
0xc1: {  	s0 =	smin.u32 s0, $0x1F3;
	[sflag:s16] =	ssyncset.done $0x0  }
0xc2: {  	s23 =	smul.u32 $0xC80, s0;
	[sflag:s16] =	ssyncadd.s32 $0xFFFFF380  }
0xc3: {  	s3 =	simm.s32 $0x0;
	_ =	swait.ge [sflag:s16], $0xC80  }
0xc4: {  	s14 =	simm.s32 $0x400;
	s24 =	sadd.s32 s1, s23;
	[sflag:s16] =	ssyncset.done $0x0  }
0xc5: {  	s0 =	simm.s32 $0x80;
	s19 =	sadd.s32 $0x0, s24;
	[sflag:s16] =	ssyncadd.s32 $0xFFFFF380  }
.LBB2_37:
0xc6: {  	[tilespmem:s3], [sflag:$0x1] =	stream.linear.gather [hbm4b:s19+s7], $0x380, $0x38;
	[tilespmem:$0x19000] =	vst v63  }
0xc7: {  	s19 =	smov.u32 s0;
	s3 =	smov.u32 s14;
	p0 =	sne.s32 s0, $0xC00  }
.Ltmp17:
0xc8: {  	s0 =	sadd.s32 $0x80, s0;
	(pc) =	sbr.rel @p0 .LBB2_37-.Ltmp17, $2  }
0xc9: {  	_ =	sdelay $0x2  }
0xca: {  	s14 =	sadd.s32 $0x400, s14;
	s19 =	sadd.s32 s19, s24  }
0xcb: {  	[tilespmem:s3], [sflag:$0x1] =	stream.linear.gather [hbm4b:s19+s7], $0x380, $0x38;
	[tilespmem:$0x19000] =	vst v63  }
0xcc: {  	s23 =	sadd.s32 s2, s23;
	s3 =	simm.s32 $0xC800  }
0xcd: {  	s0 =	simm.s32 $0x80;
	s14 =	simm.s32 $0xCC00;
	s19 =	sadd.s32 $0x0, s23  }
.LBB2_39:
0xce: {  	[tilespmem:s3], [sflag:$0x1] =	stream.linear.gather [hbm4b:s19+s7], $0x300, $0x38;
	[tilespmem:$0x19000] =	vst v63  }
0xcf: {  	s19 =	smov.u32 s0;
	s3 =	smov.u32 s14;
	p0 =	sne.s32 s0, $0xC00  }
.Ltmp18:
0xd0: {  	s0 =	sadd.s32 $0x80, s0;
	(pc) =	sbr.rel @p0 .LBB2_39-.Ltmp18, $2  }
0xd1: {  	_ =	sdelay $0x2  }
0xd2: {  	s14 =	sadd.s32 $0x400, s14;
	s19 =	sadd.s32 s19, s23  }
0xd3: {  	[tilespmem:s3], [sflag:$0x1] =	stream.linear.gather [hbm4b:s19+s7], $0x300, $0x38;
	[tilespmem:$0x19000] =	vst v63  }
0xd4: {  	s0 =	sor.u32 $0x20, s22  }
0xd5: {  	_ =	swait.ge [sflag:s17], $0x5780;
	s0 =	smin.u32 s0, $0x1F3  }
0xd6: {  	[sflag:s17] =	ssyncset.done $0x0;
	s0 =	smul.u32 $0xC80, s0  }
0xd7: {  	[sflag:s17] =	ssyncadd.s32 $0xFFFFA880  }
0xd8: {  	s3 =	simm.s32 $0x6400;
	_ =	swait.ge [sflag:s17], $0x4B00;
	s22 =	sshrl.u32 s0, $0x3  }
0xd9: {  	s14 =	simm.s32 $0x6800;
	[sflag:s17] =	ssyncset.done $0x0;
	s29 =	sadd.s32 s4, s22  }
0xda: {  	s0 =	simm.s32 $0x10;
	[sflag:s17] =	ssyncadd.s32 $0xFFFFB500;
	s19 =	sadd.s32 $0x0, s29  }
.LBB2_41:
0xdb: {  	[hbm4b:s19+s7] =	stream.linear.scatter [tilespmem:s3], [sflag:$0x4], $0x80, $0x38;
	[tilespmem:$0x19000] =	vst v63  }
0xdc: {  	s19 =	smov.u32 s0;
	s3 =	smov.u32 s14;
	p0 =	sne.s32 s0, $0x180  }
.Ltmp19:
0xdd: {  	s0 =	sadd.s32 $0x10, s0;
	(pc) =	sbr.rel @p0 .LBB2_41-.Ltmp19, $2  }
0xde: {  	_ =	sdelay $0x2  }
0xdf: {  	s14 =	sadd.s32 $0x400, s14;
	s19 =	sadd.s32 s19, s29  }
0xe0: {  	[hbm4b:s19+s7] =	stream.linear.scatter [tilespmem:s3], [sflag:$0x4], $0x80, $0x38;
	[tilespmem:$0x19000] =	vst v63  }
0xe1: {  	s23 =	sadd.s32 $0x30D40, s22  }
0xe2: {  	s3 =	simm.s32 $0x6480;
	s24 =	sadd.s32 s4, s23  }
0xe3: {  	s0 =	simm.s32 $0x10;
	s14 =	simm.s32 $0x6880;
	s19 =	sadd.s32 $0x0, s24  }
.LBB2_43:
0xe4: {  	[hbm4b:s19+s7] =	stream.linear.scatter [tilespmem:s3], [sflag:$0x4], $0x80, $0x38;
	[tilespmem:$0x19000] =	vst v63  }
0xe5: {  	s19 =	smov.u32 s0;
	s3 =	smov.u32 s14;
	p0 =	sne.s32 s0, $0x180  }
.Ltmp20:
0xe6: {  	s0 =	sadd.s32 $0x10, s0;
	(pc) =	sbr.rel @p0 .LBB2_43-.Ltmp20, $2  }
0xe7: {  	_ =	sdelay $0x2  }
0xe8: {  	s14 =	sadd.s32 $0x400, s14;
	s19 =	sadd.s32 s19, s24  }
0xe9: {  	[hbm4b:s19+s7] =	stream.linear.scatter [tilespmem:s3], [sflag:$0x4], $0x80, $0x38;
	[tilespmem:$0x19000] =	vst v63  }
0xea: {  	s24 =	sadd.s32 $0x61A80, s22  }
0xeb: {  	s3 =	simm.s32 $0x6500;
	s25 =	sadd.s32 s4, s24  }
0xec: {  	s0 =	simm.s32 $0x10;
	s14 =	simm.s32 $0x6900;
	s19 =	sadd.s32 $0x0, s25  }
.LBB2_45:
0xed: {  	[hbm4b:s19+s7] =	stream.linear.scatter [tilespmem:s3], [sflag:$0x4], $0x80, $0x38;
	[tilespmem:$0x19000] =	vst v63  }
0xee: {  	s19 =	smov.u32 s0;
	s3 =	smov.u32 s14;
	p0 =	sne.s32 s0, $0x180  }
.Ltmp21:
0xef: {  	s0 =	sadd.s32 $0x10, s0;
	(pc) =	sbr.rel @p0 .LBB2_45-.Ltmp21, $2  }
0xf0: {  	_ =	sdelay $0x2  }
0xf1: {  	s14 =	sadd.s32 $0x400, s14;
	s19 =	sadd.s32 s19, s25  }
0xf2: {  	[hbm4b:s19+s7] =	stream.linear.scatter [tilespmem:s3], [sflag:$0x4], $0x80, $0x38;
	[tilespmem:$0x19000] =	vst v63  }
0xf3: {  	s25 =	sadd.s32 $0x927C0, s22  }
0xf4: {  	s3 =	simm.s32 $0x6580;
	s26 =	sadd.s32 s4, s25  }
0xf5: {  	s0 =	simm.s32 $0x10;
	s14 =	simm.s32 $0x6980;
	s19 =	sadd.s32 $0x0, s26  }
.LBB2_47:
0xf6: {  	[hbm4b:s19+s7] =	stream.linear.scatter [tilespmem:s3], [sflag:$0x4], $0x80, $0x38;
	[tilespmem:$0x19000] =	vst v63  }
0xf7: {  	s19 =	smov.u32 s0;
	s3 =	smov.u32 s14;
	p0 =	sne.s32 s0, $0x180  }
.Ltmp22:
0xf8: {  	s0 =	sadd.s32 $0x10, s0;
	(pc) =	sbr.rel @p0 .LBB2_47-.Ltmp22, $2  }
0xf9: {  	_ =	sdelay $0x2  }
0xfa: {  	s14 =	sadd.s32 $0x400, s14;
	s19 =	sadd.s32 s19, s26  }
0xfb: {  	[hbm4b:s19+s7] =	stream.linear.scatter [tilespmem:s3], [sflag:$0x4], $0x80, $0x38;
	[tilespmem:$0x19000] =	vst v63  }
0xfc: {  	s26 =	sadd.s32 $0xC3500, s22  }
0xfd: {  	s3 =	simm.s32 $0x6600;
	s28 =	sadd.s32 s4, s26  }
0xfe: {  	s0 =	simm.s32 $0x10;
	s14 =	simm.s32 $0x6A00;
	s19 =	sadd.s32 $0x0, s28  }
.LBB2_49:
0xff: {  	[hbm4b:s19+s7] =	stream.linear.scatter [tilespmem:s3], [sflag:$0x4], $0x80, $0x38;
	[tilespmem:$0x19000] =	vst v63  }
0x100: {  	s19 =	smov.u32 s0;
	s3 =	smov.u32 s14;
	p0 =	sne.s32 s0, $0x180  }
.Ltmp23:
0x101: {  	s0 =	sadd.s32 $0x10, s0;
	(pc) =	sbr.rel @p0 .LBB2_49-.Ltmp23, $2  }
0x102: {  	_ =	sdelay $0x2  }
0x103: {  	s14 =	sadd.s32 $0x400, s14;
	s19 =	sadd.s32 s19, s28  }
0x104: {  	[hbm4b:s19+s7] =	stream.linear.scatter [tilespmem:s3], [sflag:$0x4], $0x80, $0x38;
	[tilespmem:$0x19000] =	vst v63  }
0x105: {  	s28 =	sadd.s32 $0xF4240, s22  }
0x106: {  	s3 =	simm.s32 $0x6680;
	s30 =	sadd.s32 s4, s28  }
0x107: {  	s0 =	simm.s32 $0x10;
	s14 =	simm.s32 $0x6A80;
	s19 =	sadd.s32 $0x0, s30  }
.LBB2_51:
0x108: {  	[hbm4b:s19+s7] =	stream.linear.scatter [tilespmem:s3], [sflag:$0x4], $0x80, $0x38;
	[tilespmem:$0x19000] =	vst v63  }
0x109: {  	s19 =	smov.u32 s0;
	s3 =	smov.u32 s14;
	p0 =	sne.s32 s0, $0x180  }
.Ltmp24:
0x10a: {  	s0 =	sadd.s32 $0x10, s0;
	(pc) =	sbr.rel @p0 .LBB2_51-.Ltmp24, $2  }
0x10b: {  	_ =	sdelay $0x2  }
0x10c: {  	s14 =	sadd.s32 $0x400, s14;
	s19 =	sadd.s32 s19, s30  }
0x10d: {  	[hbm4b:s19+s7] =	stream.linear.scatter [tilespmem:s3], [sflag:$0x4], $0x80, $0x38;
	[tilespmem:$0x19000] =	vst v63  }
0x10e: {  	s29 =	sadd.s32 $0x124F80, s29;
	s3 =	simm.s32 $0x6700  }
0x10f: {  	s0 =	simm.s32 $0x10;
	s14 =	simm.s32 $0x6B00;
	s19 =	sadd.s32 $0x0, s29  }
.LBB2_53:
0x110: {  	[hbm4b:s19+s7] =	stream.linear.scatter [tilespmem:s3], [sflag:$0x4], $0x80, $0x38;
	[tilespmem:$0x19000] =	vst v63  }
0x111: {  	s19 =	smov.u32 s0;
	s3 =	smov.u32 s14;
	p0 =	sne.s32 s0, $0x180  }
.Ltmp25:
0x112: {  	s0 =	sadd.s32 $0x10, s0;
	(pc) =	sbr.rel @p0 .LBB2_53-.Ltmp25, $2  }
0x113: {  	_ =	sdelay $0x2  }
0x114: {  	s14 =	sadd.s32 $0x400, s14;
	s19 =	sadd.s32 s19, s29  }
0x115: {  	[hbm4b:s19+s7] =	stream.linear.scatter [tilespmem:s3], [sflag:$0x4], $0x80, $0x38;
	[tilespmem:$0x19000] =	vst v63  }
0x116: {  	s22 =	sadd.s32 s5, s22;
	s3 =	simm.s32 $0x12C00  }
0x117: {  	s0 =	simm.s32 $0x10;
	s14 =	simm.s32 $0x13000;
	s19 =	sadd.s32 $0x0, s22  }
.LBB2_55:
0x118: {  	[hbm4b:s19+s7] =	stream.linear.scatter [tilespmem:s3], [sflag:$0x4], $0x80, $0x38;
	[tilespmem:$0x19000] =	vst v63  }
0x119: {  	s19 =	smov.u32 s0;
	s3 =	smov.u32 s14;
	p0 =	sne.s32 s0, $0x180  }
.Ltmp26:
0x11a: {  	s0 =	sadd.s32 $0x10, s0;
	(pc) =	sbr.rel @p0 .LBB2_55-.Ltmp26, $2  }
0x11b: {  	_ =	sdelay $0x2  }
0x11c: {  	s14 =	sadd.s32 $0x400, s14;
	s19 =	sadd.s32 s19, s22  }
0x11d: {  	[hbm4b:s19+s7] =	stream.linear.scatter [tilespmem:s3], [sflag:$0x4], $0x80, $0x38;
	[tilespmem:$0x19000] =	vst v63  }
0x11e: {  	s22 =	sadd.s32 s5, s23;
	s3 =	simm.s32 $0x12C80  }
0x11f: {  	s0 =	simm.s32 $0x10;
	s14 =	simm.s32 $0x13080;
	s19 =	sadd.s32 $0x0, s22  }
.LBB2_57:
0x120: {  	[hbm4b:s19+s7] =	stream.linear.scatter [tilespmem:s3], [sflag:$0x4], $0x80, $0x38;
	[tilespmem:$0x19000] =	vst v63  }
0x121: {  	s19 =	smov.u32 s0;
	s3 =	smov.u32 s14;
	p0 =	sne.s32 s0, $0x180  }
.Ltmp27:
0x122: {  	s0 =	sadd.s32 $0x10, s0;
	(pc) =	sbr.rel @p0 .LBB2_57-.Ltmp27, $2  }
0x123: {  	_ =	sdelay $0x2  }
0x124: {  	s14 =	sadd.s32 $0x400, s14;
	s19 =	sadd.s32 s19, s22  }
0x125: {  	[hbm4b:s19+s7] =	stream.linear.scatter [tilespmem:s3], [sflag:$0x4], $0x80, $0x38;
	[tilespmem:$0x19000] =	vst v63  }
0x126: {  	s22 =	sadd.s32 s5, s24;
	s3 =	simm.s32 $0x12D00  }
0x127: {  	s0 =	simm.s32 $0x10;
	s14 =	simm.s32 $0x13100;
	s19 =	sadd.s32 $0x0, s22  }
.LBB2_59:
0x128: {  	[hbm4b:s19+s7] =	stream.linear.scatter [tilespmem:s3], [sflag:$0x4], $0x80, $0x38;
	[tilespmem:$0x19000] =	vst v63  }
0x129: {  	s19 =	smov.u32 s0;
	s3 =	smov.u32 s14;
	p0 =	sne.s32 s0, $0x180  }
.Ltmp28:
0x12a: {  	s0 =	sadd.s32 $0x10, s0;
	(pc) =	sbr.rel @p0 .LBB2_59-.Ltmp28, $2  }
0x12b: {  	_ =	sdelay $0x2  }
0x12c: {  	s14 =	sadd.s32 $0x400, s14;
	s19 =	sadd.s32 s19, s22  }
0x12d: {  	[hbm4b:s19+s7] =	stream.linear.scatter [tilespmem:s3], [sflag:$0x4], $0x80, $0x38;
	[tilespmem:$0x19000] =	vst v63  }
0x12e: {  	s22 =	sadd.s32 s5, s25;
	s3 =	simm.s32 $0x12D80  }
0x12f: {  	s0 =	simm.s32 $0x10;
	s14 =	simm.s32 $0x13180;
	s19 =	sadd.s32 $0x0, s22  }
.LBB2_61:
0x130: {  	[hbm4b:s19+s7] =	stream.linear.scatter [tilespmem:s3], [sflag:$0x4], $0x80, $0x38;
	[tilespmem:$0x19000] =	vst v63  }
0x131: {  	s19 =	smov.u32 s0;
	s3 =	smov.u32 s14;
	p0 =	sne.s32 s0, $0x180  }
.Ltmp29:
0x132: {  	s0 =	sadd.s32 $0x10, s0;
	(pc) =	sbr.rel @p0 .LBB2_61-.Ltmp29, $2  }
0x133: {  	_ =	sdelay $0x2  }
0x134: {  	s14 =	sadd.s32 $0x400, s14;
	s19 =	sadd.s32 s19, s22  }
0x135: {  	[hbm4b:s19+s7] =	stream.linear.scatter [tilespmem:s3], [sflag:$0x4], $0x80, $0x38;
	[tilespmem:$0x19000] =	vst v63  }
0x136: {  	s22 =	sadd.s32 s5, s26;
	s3 =	simm.s32 $0x12E00  }
0x137: {  	s0 =	simm.s32 $0x10;
	s14 =	simm.s32 $0x13200;
	s19 =	sadd.s32 $0x0, s22  }
.LBB2_63:
0x138: {  	[hbm4b:s19+s7] =	stream.linear.scatter [tilespmem:s3], [sflag:$0x4], $0x80, $0x38;
	[tilespmem:$0x19000] =	vst v63  }
0x139: {  	s19 =	smov.u32 s0;
	s3 =	smov.u32 s14;
	p0 =	sne.s32 s0, $0x180  }
.Ltmp30:
0x13a: {  	s0 =	sadd.s32 $0x10, s0;
	(pc) =	sbr.rel @p0 .LBB2_63-.Ltmp30, $2  }
0x13b: {  	_ =	sdelay $0x2  }
0x13c: {  	s14 =	sadd.s32 $0x400, s14;
	s19 =	sadd.s32 s19, s22  }
0x13d: {  	[hbm4b:s19+s7] =	stream.linear.scatter [tilespmem:s3], [sflag:$0x4], $0x80, $0x38;
	[tilespmem:$0x19000] =	vst v63  }
0x13e: {  	s22 =	sadd.s32 s5, s28;
	s3 =	simm.s32 $0x12E80  }
0x13f: {  	s0 =	simm.s32 $0x10;
	s14 =	simm.s32 $0x13280;
	s19 =	sadd.s32 $0x0, s22  }
.LBB2_65:
0x140: {  	[hbm4b:s19+s7] =	stream.linear.scatter [tilespmem:s3], [sflag:$0x4], $0x80, $0x38;
	[tilespmem:$0x19000] =	vst v63  }
0x141: {  	s19 =	smov.u32 s0;
	s3 =	smov.u32 s14;
	p0 =	sne.s32 s0, $0x180  }
.Ltmp31:
0x142: {  	s0 =	sadd.s32 $0x10, s0;
	(pc) =	sbr.rel @p0 .LBB2_65-.Ltmp31, $2  }
0x143: {  	_ =	sdelay $0x2  }
0x144: {  	s14 =	sadd.s32 $0x400, s14;
	s19 =	sadd.s32 s19, s22  }
0x145: {  	[hbm4b:s19+s7] =	stream.linear.scatter [tilespmem:s3], [sflag:$0x4], $0x80, $0x38;
	[tilespmem:$0x19000] =	vst v63  }
0x146: {  	_ =	swait.ge [sflag:s18], $0xC80  }
0x147: {  	[sflag:s18] =	ssyncset.done $0x0  }
0x148: {  	[sflag:s18] =	ssyncadd.s32 $0xFFFFF380  }
0x149: {  	_ =	swait.ge [sflag:s18], $0xC80  }
0x14a: {  	[sflag:s18] =	ssyncset.done $0x0  }
0x14b: {  	[sflag:s18] =	ssyncadd.s32 $0xFFFFF380  }
0x14c: {  	_ =	swait.ge [sflag:s18], $0xC80  }
0x14d: {  	[sflag:s18] =	ssyncset.done $0x0  }
0x14e: {  	[sflag:s18] =	ssyncadd.s32 $0xFFFFF380  }
0x14f: {  	_ =	swait.ge [sflag:s18], $0xC80  }
0x150: {  	[sflag:s18] =	ssyncset.done $0x0  }
0x151: {  	[sflag:s18] =	ssyncadd.s32 $0xFFFFF380  }
0x152: {  	_ =	swait.ge [sflag:s18], $0xC80  }
0x153: {  	[sflag:s18] =	ssyncset.done $0x0  }
0x154: {  	[sflag:s18] =	ssyncadd.s32 $0xFFFFF380  }
0x155: {  	_ =	swait.ge [sflag:s18], $0xC80  }
0x156: {  	[sflag:s18] =	ssyncset.done $0x0  }
0x157: {  	[sflag:s18] =	ssyncadd.s32 $0xFFFFF380  }
0x158: {  	_ =	swait.ge [sflag:s18], $0xC80  }
0x159: {  	[sflag:s18] =	ssyncset.done $0x0  }
0x15a: {  	[sflag:s18] =	ssyncadd.s32 $0xFFFFF380  }
0x15b: {  	_ =	swait.ge [sflag:s18], $0xC80  }
0x15c: {  	[sflag:s18] =	ssyncset.done $0x0  }
0x15d: {  	[sflag:s18] =	ssyncadd.s32 $0xFFFFF380  }
0x15e: {  	_ =	swait.ge [sflag:s18], $0xC80  }
0x15f: {  	[sflag:s18] =	ssyncset.done $0x0  }
0x160: {  	[sflag:s18] =	ssyncadd.s32 $0xFFFFF380  }
0x161: {  	_ =	swait.ge [sflag:s18], $0xC80  }
0x162: {  	[sflag:s18] =	ssyncset.done $0x0  }
0x163: {  	[sflag:s18] =	ssyncadd.s32 $0xFFFFF380  }
0x164: {  	_ =	swait.ge [sflag:s18], $0xC80  }
0x165: {  	[sflag:s18] =	ssyncset.done $0x0  }
0x166: {  	[sflag:s18] =	ssyncadd.s32 $0xFFFFF380  }
0x167: {  	s0 =	sadd.s32 s13, s21;
	_ =	swait.ge [sflag:s18], $0xC80  }
0x168: {  	s0 =	smin.u32 s0, $0x1F3;
	[sflag:s18] =	ssyncset.done $0x0  }
0x169: {  	s21 =	smul.u32 $0xC80, s0;
	[sflag:s18] =	ssyncadd.s32 $0xFFFFF380  }
0x16a: {  	s3 =	simm.s32 $0x6400;
	_ =	swait.ge [sflag:s18], $0xC80  }
0x16b: {  	s14 =	simm.s32 $0x6800;
	s22 =	sadd.s32 s1, s21;
	[sflag:s18] =	ssyncset.done $0x0  }
0x16c: {  	s0 =	simm.s32 $0x80;
	s19 =	sadd.s32 $0x0, s22;
	[sflag:s18] =	ssyncadd.s32 $0xFFFFF380  }
.LBB2_67:
0x16d: {  	[tilespmem:s3], [sflag:$0x2] =	stream.linear.gather [hbm4b:s19+s7], $0x380, $0x38;
	[tilespmem:$0x19000] =	vst v63  }
0x16e: {  	s19 =	smov.u32 s0;
	s3 =	smov.u32 s14;
	p0 =	sne.s32 s0, $0xC00  }
.Ltmp32:
0x16f: {  	s0 =	sadd.s32 $0x80, s0;
	(pc) =	sbr.rel @p0 .LBB2_67-.Ltmp32, $2  }
0x170: {  	_ =	sdelay $0x2  }
0x171: {  	s14 =	sadd.s32 $0x400, s14;
	s19 =	sadd.s32 s19, s22  }
0x172: {  	[tilespmem:s3], [sflag:$0x2] =	stream.linear.gather [hbm4b:s19+s7], $0x380, $0x38;
	[tilespmem:$0x19000] =	vst v63  }
0x173: {  	s21 =	sadd.s32 s2, s21;
	s3 =	simm.s32 $0x12C00  }
0x174: {  	s0 =	simm.s32 $0x80;
	s14 =	simm.s32 $0x13000;
	s19 =	sadd.s32 $0x0, s21  }
.LBB2_69:
0x175: {  	[tilespmem:s3], [sflag:$0x2] =	stream.linear.gather [hbm4b:s19+s7], $0x300, $0x38;
	[tilespmem:$0x19000] =	vst v63  }
0x176: {  	s19 =	smov.u32 s0;
	s3 =	smov.u32 s14;
	p0 =	sne.s32 s0, $0xC00  }
.Ltmp33:
0x177: {  	s0 =	sadd.s32 $0x80, s0;
	(pc) =	sbr.rel @p0 .LBB2_69-.Ltmp33, $2  }
0x178: {  	_ =	sdelay $0x2  }
0x179: {  	s14 =	sadd.s32 $0x400, s14;
	s19 =	sadd.s32 s19, s21  }
0x17a: {  	s20 =	sadd.s32 $0x1, s20  }
0x17b: {  	p0 =	sne.s32 s20, $0x8  }
.Ltmp34:
0x17c: {  	_ = 	snop;
	(pc) =	sbr.rel @p0 .LBB2_10-.Ltmp34, $2  }
0x17d: {  	_ =	sdelay $0x2  }
0x17e: {  	[tilespmem:s3], [sflag:$0x2] =	stream.linear.gather [hbm4b:s19+s7], $0x300, $0x38;
	[tilespmem:$0x19000] =	vst v63  }
0x17f: {  	_ =	swait.ge [sflag:s15], $0x5780  }
0x180: {  	[sflag:s15] =	ssyncset.done $0x0  }
0x181: {  	[sflag:s15] =	ssyncadd.s32 $0xFFFFA880  }
0x182: {  	_ =	swait.ge [sflag:s15], $0x4B00  }
0x183: {  	[sflag:s15] =	ssyncset.done $0x0  }
0x184: {  	[sflag:s15] =	ssyncadd.s32 $0xFFFFB500  }
0x185: {  	_ =	swait.ge [sflag:s17], $0x5780  }
0x186: {  	[sflag:s17] =	ssyncset.done $0x0  }
0x187: {  	[sflag:s17] =	ssyncadd.s32 $0xFFFFA880  }
0x188: {  	_ =	swait.ge [sflag:s17], $0x4B00  }
0x189: {  	s3 =	rddreg [dreg:$0x6]  }
0x18a: {  	s0 =	rddreg [dreg:$0x5];
	s3 =	sadd.s32 $0x1, s3  }
0x18b: {  	p0 =	sne.s32 s3, s0  }
.Ltmp35:
0x18c: {  	_ = 	snop;
	(pc) =	sbr.rel @p0 .LBB2_1-.Ltmp35, $3  }
0x18d: {  	_ =	sdelay $0x1  }
0x18e: {  	[sflag:s17] =	ssyncset.done $0x0  }
0x18f: {  	[sflag:s17] =	ssyncadd.s32 $0xFFFFB500  }
0x190: {  	_ =	sfence.sel $0x180000  }
0x191: {  	[bflag:$0x0] =	sbarrier.arrive $0xFFFF  }
0x192: {  	_ =	strace $0x90000047  }
0x193: {  	s0 =	stileid.u32;
	[bflag:$0x2] =	sbarrier.arrive $0xFFFF  }
0x194: {  	p0 =	sne.s32 s0, $0x0;
	s0 =	rddreg [dreg:$0x4]  }
0x195: {  	s0 =	sadd.s32 @!p0 $0x100000, s0  }
0x196: {  	[sflag:s0] =	ssyncadd.tile.s32 @!p0 $0x1;
	_ =	shalt  }
.Lfunc_end2:
_tile_overlayer_lowered:
.L_overlay_start_2:
0x197: {  	(tag) =	ssettag $0x2  }
0x198: {  	s0 =	rddreg [dreg:$0x0];
	s2 =	stileid.u32  }
0x199: {  	s1 =	rddreg [dreg:$0x1];
	p0 =	sne.s32 s2, $0x0  }
0x19a: {  	s3 =	rddreg [dreg:$0x2];
	[bflag:$0x3] =	sbarrier.arrive $0xFFFF;
	s2 =	simm.s32 @!p0 $0x1C05  }
0x19b: {  	[timem:s3], [sflag:s2] =	dma.local @!p0 [hbm:s0], s1  }
0x19c: {  	s0 =	simm.s32 @!p0 $0x5  }
0x19d: {  	_ =	swait.ge @!p0 [sflag:s0], s1  }
0x19e: {  	s1 =	ssub.s32 @!p0 $0x0, s1;
	[sflag:s0] =	ssyncset.done @!p0 $0x0  }
0x19f: {  	[sflag:s0] =	ssyncadd.s32 @!p0 s1  }
0x1a0: {  	[bflag:$0x3] =	sbarrier.arrive $0xFFFF  }
0x1a1: {  	_ =	shalt  }

</sc_bundles>
